<compile_context>
chip_gen: v7x
topology: tpu7x:2x2x1
jax: 0.10.2.dev20260603
libtpu: 0.0.44.dev20260713+nightly
codegen_flags: <defaults>
</compile_context>

<pallas_src>
import functools

import jax
import jax.numpy as jnp
from jax import lax
from jax.experimental import pallas as pl
from jax.experimental.pallas import tpu as pltpu
from jax.experimental.pallas import tpu_sc as plsc

N = 4096
DIM = 256
KNN = 16
POS_H = 64
DM = 1024
F32 = jnp.float32
HIGHEST = lax.Precision.HIGHEST
DEFAULT = lax.Precision.DEFAULT


def _dot(a, b, dims, prec=HIGHEST):
    return lax.dot_general(a, b, dimension_numbers=(dims, ((), ())),
                           precision=prec, preferred_element_type=F32)


_BA = 256
_GA = N // _BA


def _proj_knn_body(objT, qpT, posT, posR,
                   Wso, bso, Wsq, bsq, Wk, bk, Wv, bv, Wq, bq,
                   q_out, v_out, key_out, idx_out):
    of = _dot(objT[...], Wso[...], ((1,), (1,))) + bso[...]
    key = _dot(of, Wk[...], ((1,), (1,))) + bk[...]
    val = _dot(of, Wv[...], ((1,), (1,))) + bv[...]
    qf = _dot(qpT[...], Wsq[...], ((1,), (1,))) + bsq[...]
    q = _dot(qf, Wq[...], ((1,), (1,))) + bq[...]
    q_out[...] = q
    v_out[...] = val
    key_out[...] = key

    pb = posT[...]
    prow = posR[...]
    sqc = jnp.sum(pb * pb, axis=1, keepdims=True)
    sqr = jnp.sum(prow * prow, axis=0, keepdims=True)
    pbb = pb.astype(jnp.bfloat16).astype(F32)
    prb = prow.astype(jnp.bfloat16).astype(F32)
    acc = pbb[:, 0:1] * prb[0:1, :]
    acc = acc + pbb[:, 1:2] * prb[1:2, :]
    acc = acc + pbb[:, 2:3] * prb[2:3, :]
    d = (sqc + sqr) - 2.0 * acc

    iota_f = lax.broadcasted_iota(jnp.int32, (_BA, N), 1).astype(F32)
    big = jnp.float32(1e9)
    inf = jnp.float32(jnp.inf)
    cols = []
    for _ in range(KNN):
        m = jnp.min(d, axis=1, keepdims=True)
        eq = d == m
        sel = jnp.min(jnp.where(eq, iota_f, big), axis=1, keepdims=True)
        cols.append(sel)
        d = jnp.where(eq, inf, d)
    idx_out[...] = jnp.concatenate(cols, axis=1).astype(jnp.int32)


def _proj_knn(objT, qpT, posT16, posR, p):
    blk = lambda r, c: pl.BlockSpec((r, c), lambda i: (i, 0))
    whole = lambda r, c: pl.BlockSpec((r, c), lambda i: (0, 0))
    return pl.pallas_call(
        _proj_knn_body,
        grid=(_GA,),
        in_specs=[
            blk(_BA, DIM), blk(_BA, DIM), blk(_BA, 16), whole(8, N),
            whole(DIM, DIM), whole(1, DIM), whole(DIM, DIM), whole(1, DIM),
            whole(DIM, DIM), whole(1, DIM), whole(DIM, DIM), whole(1, DIM),
            whole(DIM, DIM), whole(1, DIM),
        ],
        out_specs=[blk(_BA, DIM), blk(_BA, DIM), blk(_BA, DIM),
                   blk(_BA, KNN)],
        out_shape=[
            jax.ShapeDtypeStruct((N, DIM), F32),
            jax.ShapeDtypeStruct((N, DIM), F32),
            jax.ShapeDtypeStruct((N, DIM), F32),
            jax.ShapeDtypeStruct((N, KNN), jnp.int32),
        ],
    )(objT, qpT, posT16, posR,
      p['Wso'], p['bso2'], p['Wsq'], p['bsq2'], p['Wk'], p['bk2'],
      p['Wv'], p['bv2'], p['Wq'], p['bq2'])


_NW = 32
_CHUNK = 128
_ROWS = N * KNN
_PER_W = _ROWS // _NW
_NCH = _PER_W // _CHUNK


def _sc_gather(key, ptab, idx_flat):
    mesh = plsc.VectorSubcoreMesh(core_axis_name="c", subcore_axis_name="s")

    @functools.partial(
        pl.kernel,
        out_type=[jax.ShapeDtypeStruct((_ROWS, DIM), F32),
                  jax.ShapeDtypeStruct((_ROWS, 128), F32)],
        mesh=mesh,
        scratch_types=[
            pltpu.VMEM((_CHUNK,), jnp.int32),
            pltpu.VMEM((_CHUNK, DIM), F32),
            pltpu.VMEM((_CHUNK, 128), F32),
            pltpu.SemaphoreType.DMA,
            pltpu.SemaphoreType.DMA,
        ],
    )
    def k(key_hbm, ptab_hbm, idx_hbm, kg_hbm, pg_hbm,
          idx_v, rows_v, prow_v, sem1, sem2):
        wid = lax.axis_index("s") * 2 + lax.axis_index("c")

        def body(c, carry):
            base = wid * _PER_W + c * _CHUNK
            pltpu.sync_copy(idx_hbm.at[pl.ds(base, _CHUNK)], idx_v)
            cp1 = pltpu.async_copy(key_hbm.at[idx_v], rows_v, sem1)
            cp2 = pltpu.async_copy(ptab_hbm.at[idx_v], prow_v, sem2)
            cp1.wait()
            cp2.wait()
            pltpu.sync_copy(rows_v, kg_hbm.at[pl.ds(base, _CHUNK)])
            pltpu.sync_copy(prow_v, pg_hbm.at[pl.ds(base, _CHUNK)])
            return carry

        lax.fori_loop(0, _NCH, body, 0)

    return k(key, ptab, idx_flat)


_BC = 256
_GC = N // _BC
_M = float(N * KNN)


def _stats_body(pg, posT, q, kg, Wp1pT, bp1, gp, btp, Wp2, bp2,
                Wa1T, ba1r, gar, btar,
                wp1_out, bp1_out, wa1_out, ba1_out,
                sh_s, shh_s, sx_s, sxx_s):
    i = pl.program_id(0)
    m = jnp.float32(_M)

    @pl.when(i == 0)
    def _():
        sh_s[...] = jnp.zeros_like(sh_s)
        shh_s[...] = jnp.zeros_like(shh_s)
        sx_s[...] = jnp.zeros_like(sx_s)
        sxx_s[...] = jnp.zeros_like(sxx_s)

    @pl.when(i < _GC)
    def _():
        pg3 = pg[...][:, :16].reshape(_BC, KNN, 16)
        pr = (posT[...][:, None, :] - pg3).reshape(_BC * KNN, 16)
        h1 = _dot(pr, Wp1pT[...], ((1,), (0,))) + bp1[...]
        sh_s[...] += jnp.sum(h1, axis=0, keepdims=True)
        shh_s[...] += jnp.sum(h1 * h1, axis=0, keepdims=True)

    @pl.when(i == _GC)
    def _():
        mh = sh_s[...] / m
        vh = shh_s[...] / m - mh * mh
        s_pe = gp[...] * lax.rsqrt(vh + 1e-5)
        wp1_out[...] = Wp1pT[...] * s_pe
        bp1_out[...] = (bp1[...] - mh) * s_pe + btp[...]

    @pl.when((i > _GC) & (i <= 2 * _GC))
    def _():
        pg3 = pg[...][:, :16].reshape(_BC, KNN, 16)
        pr = (posT[...][:, None, :] - pg3).reshape(_BC * KNN, 16)
        h = jnp.maximum(_dot(pr, wp1_out[...], ((1,), (0,))) + bp1_out[...],
                        0.0)
        pe = _dot(h, Wp2[...], ((1,), (1,)), DEFAULT) + bp2[...]
        x3 = q[...][:, None, :] - kg[...].reshape(_BC, KNN, DIM)
        x = x3.reshape(_BC * KNN, DIM) + pe
        sx_s[...] += jnp.sum(x, axis=0, keepdims=True)
        sxx_s[...] += _dot(x, x, ((0,), (0,)), DEFAULT)

    @pl.when(i == 2 * _GC + 1)
    def _():
        mx = sx_s[...] / m
        exx = sxx_s[...] / m
        cov = exx - _dot(mx, mx, ((0,), (0,)))
        w1cT = _dot(cov, Wa1T[...], ((1,), (0,)))
        var = jnp.sum(w1cT * Wa1T[...], axis=0, keepdims=True)
        mean_a = _dot(mx, Wa1T[...], ((1,), (0,))) + ba1r[...]
        scale = gar[...] * lax.rsqrt(var + 1e-5)
        wa1_out[...] = Wa1T[...] * scale
        ba1_out[...] = (ba1r[...] - mean_a) * scale + btar[...]


def _stats(pg, posT16, q, kg, p):
    pe_blk = lambda i: (jnp.where(i < _GC, i, jnp.clip(i - _GC - 1, 0, _GC - 1)), 0)
    x_blk = lambda i: (jnp.clip(i - _GC - 1, 0, _GC - 1), 0)
    whole = lambda r, c: pl.BlockSpec((r, c), lambda i: (0, 0))
    return pl.pallas_call(
        _stats_body,
        grid=(2 * _GC + 2,),
        in_specs=[
            pl.BlockSpec((_BC * KNN, 128), pe_blk),
            pl.BlockSpec((_BC, 16), pe_blk),
            pl.BlockSpec((_BC, DIM), x_blk),
            pl.BlockSpec((_BC * KNN, DIM), x_blk),
            whole(16, POS_H), whole(1, POS_H), whole(1, POS_H),
            whole(1, POS_H), whole(DIM, POS_H), whole(1, DIM),
            whole(DIM, DM), whole(1, DM), whole(1, DM), whole(1, DM),
        ],
        out_specs=[whole(16, POS_H), whole(1, POS_H),
                   whole(DIM, DM), whole(1, DM)],
        out_shape=[
            jax.ShapeDtypeStruct((16, POS_H), F32),
            jax.ShapeDtypeStruct((1, POS_H), F32),
            jax.ShapeDtypeStruct((DIM, DM), F32),
            jax.ShapeDtypeStruct((1, DM), F32),
        ],
        scratch_shapes=[
            pltpu.VMEM((1, POS_H), F32), pltpu.VMEM((1, POS_H), F32),
            pltpu.VMEM((1, DIM), F32), pltpu.VMEM((DIM, DIM), F32),
        ],
    )(pg, posT16, q, kg, p['Wp1pT'], p['bp12'], p['gp2'], p['btp2'],
      p['Wp2'], p['bp22'], p['Wa1T'], p['ba1r'], p['gar'], p['btar'])


_BD = 128
_GD = N // _BD


def _attn_body(pg, posT, q, v, kg, Wp1f, bp1f, Wp2, bp2,
               Wa1f, ba1f, Wa2, ba2, We, be, y_out):
    pg3 = pg[...][:, :16].reshape(_BD, KNN, 16)
    pr = (posT[...][:, None, :] - pg3).reshape(_BD * KNN, 16)
    h = jnp.maximum(_dot(pr, Wp1f[...], ((1,), (0,))) + bp1f[...], 0.0)
    pe = _dot(h, Wp2[...], ((1,), (1,)), DEFAULT) + bp2[...]
    x3 = q[...][:, None, :] - kg[...].reshape(_BD, KNN, DIM)
    x = x3.reshape(_BD * KNN, DIM) + pe
    a = jnp.maximum(_dot(x, Wa1f[...], ((1,), (0,)), DEFAULT) + ba1f[...],
                    0.0)
    logits = _dot(a, Wa2[...], ((1,), (1,)), DEFAULT) + ba2[...]
    l3 = logits.reshape(_BD, KNN, DIM)
    mx = jnp.max(l3, axis=1, keepdims=True)
    e = jnp.exp(l3 - mx)
    att = e / jnp.sum(e, axis=1, keepdims=True)
    val3 = v[...][:, None, :] + pe.reshape(_BD, KNN, DIM)
    agg = jnp.sum(att * val3, axis=1)
    y_out[...] = _dot(agg, We[...], ((1,), (1,))) + be[...]


def _attn(pg, posT16, q, v, kg, wp1f, bp1f, wa1f, ba1f_row, p):
    blk = lambda r, c: pl.BlockSpec((r, c), lambda i: (i, 0))
    whole = lambda r, c: pl.BlockSpec((r, c), lambda i: (0, 0))
    return pl.pallas_call(
        _attn_body,
        grid=(_GD,),
        in_specs=[
            blk(_BD * KNN, 128), blk(_BD, 16), blk(_BD, DIM), blk(_BD, DIM),
            blk(_BD * KNN, DIM),
            whole(16, POS_H), whole(1, POS_H), whole(DIM, POS_H),
            whole(1, DIM),
            whole(DIM, DM), whole(1, DM), whole(DIM, DM), whole(1, DIM),
            whole(DIM, DIM), whole(1, DIM),
        ],
        out_specs=[blk(_BD, DIM)],
        out_shape=[jax.ShapeDtypeStruct((N, DIM), F32)],
    )(pg, posT16, q, v, kg, wp1f, bp1f, p['Wp2'], p['bp22'],
      wa1f, ba1f_row, p['Wa2'], p['ba22'], p['We'], p['be2'])[0]


def kernel(obj_feature, pos, query_points, params):
    p = dict(params)
    p['bso2'] = p['bso'][None, :]
    p['bsq2'] = p['bsq'][None, :]
    p['bk2'] = p['bk'][None, :]
    p['bv2'] = p['bv'][None, :]
    p['bq2'] = p['bq'][None, :]
    p['bp12'] = p['bp1'][None, :]
    p['bp22'] = p['bp2'][None, :]
    p['ba22'] = p['ba2'][None, :]
    p['be2'] = p['be'][None, :]
    p['ba1r'] = p['ba1'][None, :]
    p['gar'] = p['ga'][None, :]
    p['btar'] = p['bta'][None, :]
    p['Wa1T'] = jnp.transpose(p['Wa1'])
    p['Wp1pT'] = jnp.zeros((16, POS_H), F32).at[:3, :].set(
        jnp.transpose(p['Wp1']))
    p['gp2'] = p['gp'][None, :]
    p['btp2'] = p['btp'][None, :]

    objT = jnp.transpose(obj_feature[0])
    qpT = jnp.transpose(query_points[0])
    posT = jnp.transpose(pos[0])
    posT16 = jnp.zeros((N, 16), F32).at[:, :3].set(posT)
    posR = jnp.zeros((8, N), F32).at[:3, :].set(pos[0])

    ptab = jnp.zeros((N, 128), F32).at[:, :3].set(posT)

    q, v, key, idx = _proj_knn(objT, qpT, posT16, posR, p)
    kg, pg = _sc_gather(key, ptab, idx.reshape(-1))

    wp1fT, bp1f, wa1fT, ba1f = _stats(pg, posT16, q, kg, p)

    y = _attn(pg, posT16, q, v, kg, wp1fT, bp1f, wa1fT, ba1f, p)
    return jnp.transpose(y)[None]

# --- scband reference (transcript-rebuilt; emitter-appended) ---
"""Pipeline reference for scband-cross-attention-encoder-66571993088195 (READ-ONLY COPY).

The authoritative reference and input builder live on the scoring server;
editing this copy changes nothing except your own understanding.
"""

import jax, jax.numpy as jnp
import numpy as np

B = 1
N = 4096
DIM = 256
KNN = 16
POS_H = 64
MULT = 4
CIN_OBJ = 256
CIN_Q = 256


def _conv1d(x, W, b):
    # x: (B, Cin, n), W: (Cout, Cin)
    return jnp.einsum('oc,bcn->bon', W, x) + b[None, :, None]


def _conv2d(x, W, b):
    # x: (B, Cin, n, k), W: (Cout, Cin)
    return jnp.einsum('oc,bcnk->bonk', W, x) + b[None, :, None, None]


def _bn2d(x, gamma, beta, eps=1e-5):
    # training-mode batchnorm over (B, n, k) per channel
    m = jnp.mean(x, axis=(0, 2, 3), keepdims=True)
    v = jnp.var(x, axis=(0, 2, 3), keepdims=True)
    xh = (x - m) / jnp.sqrt(v + eps)
    return xh * gamma[None, :, None, None] + beta[None, :, None, None]


def _query_knn(k, pos_f):
    # pos_f: (B, n, 3) -> idx (B, n, k) of k nearest neighbors
    sq = jnp.sum(pos_f * pos_f, axis=-1)
    d = sq[:, :, None] + sq[:, None, :] - 2.0 * jnp.einsum('bic,bjc->bij', pos_f, pos_f)
    _, idx = jax.lax.top_k(-d, k)
    return idx


def _grouping(x, idx):
    # x: (B, C, n), idx: (B, n, k) -> (B, C, n, k)
    b, c, n = x.shape
    k = idx.shape[-1]
    xt = jnp.transpose(x, (0, 2, 1))  # (B, n, C)
    g = jnp.take_along_axis(xt, idx.reshape(b, n * k, 1), axis=1)  # (B, n*k, C)
    g = g.reshape(b, n, k, c)
    return jnp.transpose(g, (0, 3, 1, 2))


def setup_inputs(seed: int = 0) -> dict:
    key = jax.random.key(seed)
    ks = [jax.random.fold_in(key, i) for i in range(32)]
    s = 0.02
    params = {
        'Wk': jax.random.normal(ks[0], (DIM, DIM), jnp.float32) * s,
        'bk': jnp.zeros((DIM,), jnp.float32),
        'Wq': jax.random.normal(ks[1], (DIM, DIM), jnp.float32) * s,
        'bq': jnp.zeros((DIM,), jnp.float32),
        'Wv': jax.random.normal(ks[2], (DIM, DIM), jnp.float32) * s,
        'bv': jnp.zeros((DIM,), jnp.float32),
        'Wp1': jax.random.normal(ks[3], (POS_H, 3), jnp.float32) * s,
        'bp1': jnp.zeros((POS_H,), jnp.float32),
        'gp': jnp.ones((POS_H,), jnp.float32),
        'btp': jnp.zeros((POS_H,), jnp.float32),
        'Wp2': jax.random.normal(ks[4], (DIM, POS_H), jnp.float32) * s,
        'bp2': jnp.zeros((DIM,), jnp.float32),
        'Wa1': jax.random.normal(ks[5], (DIM * MULT, DIM), jnp.float32) * s,
        'ba1': jnp.zeros((DIM * MULT,), jnp.float32),
        'ga': jnp.ones((DIM * MULT,), jnp.float32),
        'bta': jnp.zeros((DIM * MULT,), jnp.float32),
        'Wa2': jax.random.normal(ks[6], (DIM, DIM * MULT), jnp.float32) * s,
        'ba2': jnp.zeros((DIM,), jnp.float32),
        'Wsq': jax.random.normal(ks[7], (DIM, CIN_Q), jnp.float32) * s,
        'bsq': jnp.zeros((DIM,), jnp.float32),
        'Wso': jax.random.normal(ks[8], (DIM, CIN_OBJ), jnp.float32) * s,
        'bso': jnp.zeros((DIM,), jnp.float32),
        'We': jax.random.normal(ks[9], (CIN_OBJ, DIM), jnp.float32) * s,
        'be': jnp.zeros((CIN_OBJ,), jnp.float32),
    }
    return {
        'obj_feature': jax.random.normal(ks[10], (B, CIN_OBJ, N), jnp.float32),
        'pos': jax.random.normal(ks[11], (B, 3, N), jnp.float32),
        'query_points': jax.random.normal(ks[12], (B, CIN_Q, N), jnp.float32),
        'params': params,
    }


def reference(obj_feature, pos, query_points, params):
    p = params
    query_feature = _conv1d(query_points, p['Wsq'], p['bsq'])
    of = _conv1d(obj_feature, p['Wso'], p['bso'])
    b, dim, n = of.shape
    pos_flipped = jnp.transpose(pos, (0, 2, 1))
    idx_knn = _query_knn(KNN, pos_flipped)
    key = _conv1d(of, p['Wk'], p['bk'])
    value = _conv1d(of, p['Wv'], p['bv'])
    query = _conv1d(query_feature, p['Wq'], p['bq'])
    key_g = _grouping(key, idx_knn)                                 # (B, dim, n, k)
    qk_rel = query.reshape(b, -1, n, 1) - key_g
    pos_rel = pos.reshape(b, -1, n, 1) - _grouping(pos, idx_knn)    # (B, 3, n, k)
    pe = _conv2d(pos_rel, p['Wp1'], p['bp1'])
    pe = jax.nn.relu(_bn2d(pe, p['gp'], p['btp']))
    pos_embedding = _conv2d(pe, p['Wp2'], p['bp2'])                 # (B, dim, n, k)
    a = _conv2d(qk_rel + pos_embedding, p['Wa1'], p['ba1'])
    a = jax.nn.relu(_bn2d(a, p['ga'], p['bta']))
    attention = _conv2d(a, p['Wa2'], p['ba2'])
    attention = jax.nn.softmax(attention, axis=-1)
    val = value.reshape(b, -1, n, 1) + pos_embedding
    agg = jnp.sum(attention * val, axis=-1)                         # (B, dim, n)
    y = _conv1d(agg, p['We'], p['be'])
    return y

if __name__ == "__main__":
    import jax
    _d = setup_inputs()
    print(jax.jit(kernel)(*tuple(_d.values())))

</pallas_src>

<mosaic_0001>
#map = affine_map<(d0, d1) -> (0, 0)>
#map1 = affine_map<(d0, d1) -> (0)>
module attributes {stable_mosaic.version = 14 : i64} {
  func.func @k(%arg0: i32, %arg1: i32, %arg2: memref<4096x256xf32, #tpu.memory_space<hbm>>, %arg3: memref<4096x128xf32, #tpu.memory_space<hbm>>, %arg4: memref<65536xi32, #tpu.memory_space<hbm>>, %arg5: memref<65536x256xf32, #tpu.memory_space<hbm>>, %arg6: memref<65536x128xf32, #tpu.memory_space<hbm>>, %arg7: memref<128xi32, #tpu.memory_space<vmem>>, %arg8: memref<128x256xf32, #tpu.memory_space<vmem>>, %arg9: memref<128x128xf32, #tpu.memory_space<vmem>>, %arg10: memref<!tpu.dma_semaphore, #tpu.memory_space<semaphore_mem>>, %arg11: memref<!tpu.dma_semaphore, #tpu.memory_space<semaphore_mem>>) attributes {dimension_semantics = [#tpu.dimension_semantics<core_parallel>, #tpu.dimension_semantics<subcore_parallel>], iteration_bounds = array<i64: 2, 16>, scalar_prefetch = 0 : i64, scratch_operands = 5 : i64, tpu.core_type = #tpu.core_type<sc_vector_subcore>, window_params = [{transform_indices = #map}, {transform_indices = #map}, {transform_indices = #map1}, {transform_indices = #map}, {transform_indices = #map}]} {
    %mul3A = arith.constant 2 : i32
    %mul3A_0 = arith.muli %arg1, %mul3A : i32
    %add3A = arith.addi %mul3A_0, %arg0 : i32
    %scan3A = arith.constant 0 : i32
    %scan3A_1 = arith.constant 0 : i32
    %scan3A_2 = arith.constant 16 : i32
    %scan3A_3 = arith.addi %scan3A_1, %scan3A_2 : i32
    %scan3A_4 = arith.constant 1 : i32
    scf.for %scan3A_6 = %scan3A_1 to %scan3A_3 step %scan3A_4  : i32 {
      %mul3A_7 = arith.constant 2048 : i32
      %mul3A_8 = arith.muli %add3A, %mul3A_7 : i32
      %mul3A_9 = arith.constant 128 : i32
      %mul3A_10 = arith.muli %scan3A_6, %mul3A_9 : i32
      %add3A_11 = arith.addi %mul3A_8, %mul3A_10 : i32
      "tpu.region"() ({
        %run_scoped3A = tpu.sem_alloc : memref<!tpu.dma_semaphore, #tpu.memory_space<semaphore_mem>>
        %dma_start3A_22 = tpu.memref_slice %arg4[%add3A_11] : memref<65536xi32, #tpu.memory_space<hbm>> -> memref<128xi32, #tpu.memory_space<hbm>>
        %dma_start3A_23 = tpu.memref_slice %arg4[%add3A_11] : memref<65536xi32, #tpu.memory_space<hbm>> -> memref<128xi32, #tpu.memory_space<hbm>>
        tpu.enqueue_dma source(%dma_start3A_23 : memref<128xi32, #tpu.memory_space<hbm>>) target(%arg7 : memref<128xi32, #tpu.memory_space<vmem>>) target_semaphore(%run_scoped3A : memref<!tpu.dma_semaphore, #tpu.memory_space<semaphore_mem>>)
        %dma_wait3A_24 = tpu.memref_slice %arg4[%add3A_11] : memref<65536xi32, #tpu.memory_space<hbm>> -> memref<128xi32, #tpu.memory_space<hbm>>
        %dma_wait3A_25 = tpu.memref_slice %arg4[%add3A_11] : memref<65536xi32, #tpu.memory_space<hbm>> -> memref<128xi32, #tpu.memory_space<hbm>>
        tpu.wait_dma2 semaphore(%run_scoped3A : memref<!tpu.dma_semaphore, #tpu.memory_space<semaphore_mem>>) src(%dma_wait3A_25 : memref<128xi32, #tpu.memory_space<hbm>>) dst(%arg7 : memref<128xi32, #tpu.memory_space<vmem>>)
        tpu.yield
      }) : () -> ()
      %dma_start3A = arith.constant 0 : i32
      %dma_start3A_12 = arith.constant 0 : i32
      %dma_start3A_13 = tpu.memref_slice %arg2[%dma_start3A, %dma_start3A_12] : memref<4096x256xf32, #tpu.memory_space<hbm>> -> memref<4096x256xf32, #tpu.memory_space<hbm>>
      tpu.enqueue_indirect_dma source(%dma_start3A_13 : memref<4096x256xf32, #tpu.memory_space<hbm>>) target(%arg8 : memref<128x256xf32, #tpu.memory_space<vmem>>) offsets(%arg7 : memref<128xi32, #tpu.memory_space<vmem>>) semaphore(%arg10 : memref<!tpu.dma_semaphore, #tpu.memory_space<semaphore_mem>>)
      %dma_start3A_14 = arith.constant 0 : i32
      %dma_start3A_15 = arith.constant 0 : i32
      %dma_start3A_16 = tpu.memref_slice %arg3[%dma_start3A_14, %dma_start3A_15] : memref<4096x128xf32, #tpu.memory_space<hbm>> -> memref<4096x128xf32, #tpu.memory_space<hbm>>
      tpu.enqueue_indirect_dma source(%dma_start3A_16 : memref<4096x128xf32, #tpu.memory_space<hbm>>) target(%arg9 : memref<128x128xf32, #tpu.memory_space<vmem>>) offsets(%arg7 : memref<128xi32, #tpu.memory_space<vmem>>) semaphore(%arg11 : memref<!tpu.dma_semaphore, #tpu.memory_space<semaphore_mem>>)
      %dma_wait3A = arith.constant 0 : i32
      %dma_wait3A_17 = arith.constant 0 : i32
      %dma_wait3A_18 = tpu.memref_slice %arg2[%dma_wait3A, %dma_wait3A_17] : memref<4096x256xf32, #tpu.memory_space<hbm>> -> memref<4096x256xf32, #tpu.memory_space<hbm>>
      tpu.wait_indirect_dma semaphore(%arg10 : memref<!tpu.dma_semaphore, #tpu.memory_space<semaphore_mem>>) src(%dma_wait3A_18 : memref<4096x256xf32, #tpu.memory_space<hbm>>) dst(%arg8 : memref<128x256xf32, #tpu.memory_space<vmem>>)
      %dma_wait3A_19 = arith.constant 0 : i32
      %dma_wait3A_20 = arith.constant 0 : i32
      %dma_wait3A_21 = tpu.memref_slice %arg3[%dma_wait3A_19, %dma_wait3A_20] : memref<4096x128xf32, #tpu.memory_space<hbm>> -> memref<4096x128xf32, #tpu.memory_space<hbm>>
      tpu.wait_indirect_dma semaphore(%arg11 : memref<!tpu.dma_semaphore, #tpu.memory_space<semaphore_mem>>) src(%dma_wait3A_21 : memref<4096x128xf32, #tpu.memory_space<hbm>>) dst(%arg9 : memref<128x128xf32, #tpu.memory_space<vmem>>)
      "tpu.region"() ({
        %run_scoped3A = tpu.sem_alloc : memref<!tpu.dma_semaphore, #tpu.memory_space<semaphore_mem>>
        %dma_start3A_22 = arith.constant 0 : i32
        %dma_start3A_23 = tpu.memref_slice %arg5[%add3A_11, %dma_start3A_22] : memref<65536x256xf32, #tpu.memory_space<hbm>> -> memref<128x256xf32, #tpu.memory_space<hbm>>
        %dma_start3A_24 = arith.constant 0 : i32
        %dma_start3A_25 = tpu.memref_slice %arg5[%add3A_11, %dma_start3A_24] : memref<65536x256xf32, #tpu.memory_space<hbm>> -> memref<128x256xf32, #tpu.memory_space<hbm>>
        tpu.enqueue_dma source(%arg8 : memref<128x256xf32, #tpu.memory_space<vmem>>) target(%dma_start3A_25 : memref<128x256xf32, #tpu.memory_space<hbm>>) target_semaphore(%run_scoped3A : memref<!tpu.dma_semaphore, #tpu.memory_space<semaphore_mem>>)
        %dma_wait3A_26 = arith.constant 0 : i32
        %dma_wait3A_27 = tpu.memref_slice %arg5[%add3A_11, %dma_wait3A_26] : memref<65536x256xf32, #tpu.memory_space<hbm>> -> memref<128x256xf32, #tpu.memory_space<hbm>>
        %dma_wait3A_28 = arith.constant 0 : i32
        %dma_wait3A_29 = tpu.memref_slice %arg5[%add3A_11, %dma_wait3A_28] : memref<65536x256xf32, #tpu.memory_space<hbm>> -> memref<128x256xf32, #tpu.memory_space<hbm>>
        tpu.wait_dma2 semaphore(%run_scoped3A : memref<!tpu.dma_semaphore, #tpu.memory_space<semaphore_mem>>) src(%arg8 : memref<128x256xf32, #tpu.memory_space<vmem>>) dst(%dma_wait3A_29 : memref<128x256xf32, #tpu.memory_space<hbm>>)
        tpu.yield
      }) : () -> ()
      "tpu.region"() ({
        %run_scoped3A = tpu.sem_alloc : memref<!tpu.dma_semaphore, #tpu.memory_space<semaphore_mem>>
        %dma_start3A_22 = arith.constant 0 : i32
        %dma_start3A_23 = tpu.memref_slice %arg6[%add3A_11, %dma_start3A_22] : memref<65536x128xf32, #tpu.memory_space<hbm>> -> memref<128x128xf32, #tpu.memory_space<hbm>>
        %dma_start3A_24 = arith.constant 0 : i32
        %dma_start3A_25 = tpu.memref_slice %arg6[%add3A_11, %dma_start3A_24] : memref<65536x128xf32, #tpu.memory_space<hbm>> -> memref<128x128xf32, #tpu.memory_space<hbm>>
        tpu.enqueue_dma source(%arg9 : memref<128x128xf32, #tpu.memory_space<vmem>>) target(%dma_start3A_25 : memref<128x128xf32, #tpu.memory_space<hbm>>) target_semaphore(%run_scoped3A : memref<!tpu.dma_semaphore, #tpu.memory_space<semaphore_mem>>)
        %dma_wait3A_26 = arith.constant 0 : i32
        %dma_wait3A_27 = tpu.memref_slice %arg6[%add3A_11, %dma_wait3A_26] : memref<65536x128xf32, #tpu.memory_space<hbm>> -> memref<128x128xf32, #tpu.memory_space<hbm>>
        %dma_wait3A_28 = arith.constant 0 : i32
        %dma_wait3A_29 = tpu.memref_slice %arg6[%add3A_11, %dma_wait3A_28] : memref<65536x128xf32, #tpu.memory_space<hbm>> -> memref<128x128xf32, #tpu.memory_space<hbm>>
        tpu.wait_dma2 semaphore(%run_scoped3A : memref<!tpu.dma_semaphore, #tpu.memory_space<semaphore_mem>>) src(%arg9 : memref<128x128xf32, #tpu.memory_space<vmem>>) dst(%dma_wait3A_29 : memref<128x128xf32, #tpu.memory_space<hbm>>)
        tpu.yield
      }) : () -> ()
    }
    %scan3A_5 = arith.constant 16 : i32
    return
  }
}

module attributes {stable_mosaic.version = 14 : i64} {
  func.func @_proj_knn_body(%arg0: i32, %arg1: memref<256x256xf32, #tpu.memory_space<vmem>>, %arg2: memref<256x256xf32, #tpu.memory_space<vmem>>, %arg3: memref<256x16xf32, #tpu.memory_space<vmem>>, %arg4: memref<8x4096xf32, #tpu.memory_space<vmem>>, %arg5: memref<256x256xf32, #tpu.memory_space<vmem>>, %arg6: memref<1x256xf32, #tpu.memory_space<vmem>>, %arg7: memref<256x256xf32, #tpu.memory_space<vmem>>, %arg8: memref<1x256xf32, #tpu.memory_space<vmem>>, %arg9: memref<256x256xf32, #tpu.memory_space<vmem>>, %arg10: memref<1x256xf32, #tpu.memory_space<vmem>>, %arg11: memref<256x256xf32, #tpu.memory_space<vmem>>, %arg12: memref<1x256xf32, #tpu.memory_space<vmem>>, %arg13: memref<256x256xf32, #tpu.memory_space<vmem>>, %arg14: memref<1x256xf32, #tpu.memory_space<vmem>>, %arg15: memref<256x256xf32, #tpu.memory_space<vmem>>, %arg16: memref<256x256xf32, #tpu.memory_space<vmem>>, %arg17: memref<256x256xf32, #tpu.memory_space<vmem>>, %arg18: memref<256x16xi32, #tpu.memory_space<vmem>>) attributes {dimension_semantics = [#tpu.dimension_semantics<arbitrary>], iteration_bounds = array<i64: 16>, scalar_prefetch = 0 : i64, scratch_operands = 0 : i64, tpu.core_type = #tpu.core_type<tc>, window_params = [{transform_indices = @transform_0, window_bounds = array<i64: 256, 256>}, {transform_indices = @transform_1, window_bounds = array<i64: 256, 256>}, {transform_indices = @transform_2, window_bounds = array<i64: 256, 16>}, {pipeline_mode = #tpu.pipeline_mode<synchronous>, transform_indices = @transform_3, window_bounds = array<i64: 8, 4096>}, {pipeline_mode = #tpu.pipeline_mode<synchronous>, transform_indices = @transform_4, window_bounds = array<i64: 256, 256>}, {pipeline_mode = #tpu.pipeline_mode<synchronous>, transform_indices = @transform_5, window_bounds = array<i64: 1, 256>}, {pipeline_mode = #tpu.pipeline_mode<synchronous>, transform_indices = @transform_6, window_bounds = array<i64: 256, 256>}, {pipeline_mode = #tpu.pipeline_mode<synchronous>, transform_indices = @transform_7, window_bounds = array<i64: 1, 256>}, {pipeline_mode = #tpu.pipeline_mode<synchronous>, transform_indices = @transform_8, window_bounds = array<i64: 256, 256>}, {pipeline_mode = #tpu.pipeline_mode<synchronous>, transform_indices = @transform_9, window_bounds = array<i64: 1, 256>}, {pipeline_mode = #tpu.pipeline_mode<synchronous>, transform_indices = @transform_10, window_bounds = array<i64: 256, 256>}, {pipeline_mode = #tpu.pipeline_mode<synchronous>, transform_indices = @transform_11, window_bounds = array<i64: 1, 256>}, {pipeline_mode = #tpu.pipeline_mode<synchronous>, transform_indices = @transform_12, window_bounds = array<i64: 256, 256>}, {pipeline_mode = #tpu.pipeline_mode<synchronous>, transform_indices = @transform_13, window_bounds = array<i64: 1, 256>}, {transform_indices = @transform_14, window_bounds = array<i64: 256, 256>}, {transform_indices = @transform_15, window_bounds = array<i64: 256, 256>}, {transform_indices = @transform_16, window_bounds = array<i64: 256, 256>}, {transform_indices = @transform_17, window_bounds = array<i64: 256, 16>}]} {
    %get3A = arith.constant 0 : index
    %get3A_0 = arith.constant 0 : index
    %get3A_1 = vector.load %arg1[%get3A, %get3A_0] : memref<256x256xf32, #tpu.memory_space<vmem>>, vector<256x256xf32>
    %get3A_2 = arith.constant 0 : index
    %get3A_3 = arith.constant 0 : index
    %get3A_4 = vector.load %arg5[%get3A_2, %get3A_3] : memref<256x256xf32, #tpu.memory_space<vmem>>, vector<256x256xf32>
    %dot_general3A = arith.constant dense<0.000000e+00> : vector<256x256xf32>
    %dot_general3A_5 = tpu.matmul %get3A_1, %get3A_4, %dot_general3A {dimension_numbers = #tpu.dot_dimension_numbers<[1], [1], [0], [0], [0, 0, 1, 0], [], []>, precision = #tpu.contract_precision<fp32>, transpose_lhs_hint = false} : vector<256x256xf32>, vector<256x256xf32>, vector<256x256xf32> -> vector<256x256xf32>
    %get3A_6 = arith.constant 0 : index
    %get3A_7 = arith.constant 0 : index
    %get3A_8 = vector.load %arg6[%get3A_6, %get3A_7] : memref<1x256xf32, #tpu.memory_space<vmem>>, vector<1x256xf32>
    %add3A = vector.broadcast %get3A_8 : vector<1x256xf32> to vector<256x256xf32>
    %add3A_9 = arith.addf %dot_general3A_5, %add3A : vector<256x256xf32>
    %get3A_10 = arith.constant 0 : index
    %get3A_11 = arith.constant 0 : index
    %get3A_12 = vector.load %arg9[%get3A_10, %get3A_11] : memref<256x256xf32, #tpu.memory_space<vmem>>, vector<256x256xf32>
    %dot_general3A_13 = arith.constant dense<0.000000e+00> : vector<256x256xf32>
    %dot_general3A_14 = tpu.matmul %add3A_9, %get3A_12, %dot_general3A_13 {dimension_numbers = #tpu.dot_dimension_numbers<[1], [1], [0], [0], [0, 0, 1, 0], [], []>, precision = #tpu.contract_precision<fp32>, transpose_lhs_hint = false} : vector<256x256xf32>, vector<256x256xf32>, vector<256x256xf32> -> vector<256x256xf32>
    %get3A_15 = arith.constant 0 : index
    %get3A_16 = arith.constant 0 : index
    %get3A_17 = vector.load %arg10[%get3A_15, %get3A_16] : memref<1x256xf32, #tpu.memory_space<vmem>>, vector<1x256xf32>
    %add3A_18 = vector.broadcast %get3A_17 : vector<1x256xf32> to vector<256x256xf32>
    %add3A_19 = arith.addf %dot_general3A_14, %add3A_18 : vector<256x256xf32>
    %get3A_20 = arith.constant 0 : index
    %get3A_21 = arith.constant 0 : index
    %get3A_22 = vector.load %arg11[%get3A_20, %get3A_21] : memref<256x256xf32, #tpu.memory_space<vmem>>, vector<256x256xf32>
    %dot_general3A_23 = arith.constant dense<0.000000e+00> : vector<256x256xf32>
    %dot_general3A_24 = tpu.matmul %add3A_9, %get3A_22, %dot_general3A_23 {dimension_numbers = #tpu.dot_dimension_numbers<[1], [1], [0], [0], [0, 0, 1, 0], [], []>, precision = #tpu.contract_precision<fp32>, transpose_lhs_hint = false} : vector<256x256xf32>, vector<256x256xf32>, vector<256x256xf32> -> vector<256x256xf32>
    %get3A_25 = arith.constant 0 : index
    %get3A_26 = arith.constant 0 : index
    %get3A_27 = vector.load %arg12[%get3A_25, %get3A_26] : memref<1x256xf32, #tpu.memory_space<vmem>>, vector<1x256xf32>
    %add3A_28 = vector.broadcast %get3A_27 : vector<1x256xf32> to vector<256x256xf32>
    %add3A_29 = arith.addf %dot_general3A_24, %add3A_28 : vector<256x256xf32>
    %get3A_30 = arith.constant 0 : index
    %get3A_31 = arith.constant 0 : index
    %get3A_32 = vector.load %arg2[%get3A_30, %get3A_31] : memref<256x256xf32, #tpu.memory_space<vmem>>, vector<256x256xf32>
    %get3A_33 = arith.constant 0 : index
    %get3A_34 = arith.constant 0 : index
    %get3A_35 = vector.load %arg7[%get3A_33, %get3A_34] : memref<256x256xf32, #tpu.memory_space<vmem>>, vector<256x256xf32>
    %dot_general3A_36 = arith.constant dense<0.000000e+00> : vector<256x256xf32>
    %dot_general3A_37 = tpu.matmul %get3A_32, %get3A_35, %dot_general3A_36 {dimension_numbers = #tpu.dot_dimension_numbers<[1], [1], [0], [0], [0, 0, 1, 0], [], []>, precision = #tpu.contract_precision<fp32>, transpose_lhs_hint = false} : vector<256x256xf32>, vector<256x256xf32>, vector<256x256xf32> -> vector<256x256xf32>
    %get3A_38 = arith.constant 0 : index
    %get3A_39 = arith.constant 0 : index
    %get3A_40 = vector.load %arg8[%get3A_38, %get3A_39] : memref<1x256xf32, #tpu.memory_space<vmem>>, vector<1x256xf32>
    %add3A_41 = vector.broadcast %get3A_40 : vector<1x256xf32> to vector<256x256xf32>
    %add3A_42 = arith.addf %dot_general3A_37, %add3A_41 : vector<256x256xf32>
    %get3A_43 = arith.constant 0 : index
    %get3A_44 = arith.constant 0 : index
    %get3A_45 = vector.load %arg13[%get3A_43, %get3A_44] : memref<256x256xf32, #tpu.memory_space<vmem>>, vector<256x256xf32>
    %dot_general3A_46 = arith.constant dense<0.000000e+00> : vector<256x256xf32>
    %dot_general3A_47 = tpu.matmul %add3A_42, %get3A_45, %dot_general3A_46 {dimension_numbers = #tpu.dot_dimension_numbers<[1], [1], [0], [0], [0, 0, 1, 0], [], []>, precision = #tpu.contract_precision<fp32>, transpose_lhs_hint = false} : vector<256x256xf32>, vector<256x256xf32>, vector<256x256xf32> -> vector<256x256xf32>
    %get3A_48 = arith.constant 0 : index
    %get3A_49 = arith.constant 0 : index
    %get3A_50 = vector.load %arg14[%get3A_48, %get3A_49] : memref<1x256xf32, #tpu.memory_space<vmem>>, vector<1x256xf32>
    %add3A_51 = vector.broadcast %get3A_50 : vector<1x256xf32> to vector<256x256xf32>
    %add3A_52 = arith.addf %dot_general3A_47, %add3A_51 : vector<256x256xf32>
    %swap3A = arith.constant 0 : index
    %swap3A_53 = arith.constant 0 : index
    %swap3A_54 = vector.load %arg15[%swap3A, %swap3A_53] : memref<256x256xf32, #tpu.memory_space<vmem>>, vector<256x256xf32>
    tpu.vector_store %arg15[%swap3A, %swap3A_53], %add3A_52 {strides = array<i32>} : memref<256x256xf32, #tpu.memory_space<vmem>>, vector<256x256xf32>,
    %swap3A_55 = arith.constant 0 : index
    %swap3A_56 = arith.constant 0 : index
    %swap3A_57 = vector.load %arg16[%swap3A_55, %swap3A_56] : memref<256x256xf32, #tpu.memory_space<vmem>>, vector<256x256xf32>
    tpu.vector_store %arg16[%swap3A_55, %swap3A_56], %add3A_29 {strides = array<i32>} : memref<256x256xf32, #tpu.memory_space<vmem>>, vector<256x256xf32>,
    %swap3A_58 = arith.constant 0 : index
    %swap3A_59 = arith.constant 0 : index
    %swap3A_60 = vector.load %arg17[%swap3A_58, %swap3A_59] : memref<256x256xf32, #tpu.memory_space<vmem>>, vector<256x256xf32>
    tpu.vector_store %arg17[%swap3A_58, %swap3A_59], %add3A_19 {strides = array<i32>} : memref<256x256xf32, #tpu.memory_space<vmem>>, vector<256x256xf32>,
    %get3A_61 = arith.constant 0 : index
    %get3A_62 = arith.constant 0 : index
    %get3A_63 = vector.load %arg3[%get3A_61, %get3A_62] : memref<256x16xf32, #tpu.memory_space<vmem>>, vector<256x16xf32>
    %get3A_64 = arith.constant 0 : index
    %get3A_65 = arith.constant 0 : index
    %get3A_66 = vector.load %arg4[%get3A_64, %get3A_65] : memref<8x4096xf32, #tpu.memory_space<vmem>>, vector<8x4096xf32>
    %mul3A = arith.mulf %get3A_63, %get3A_63 : vector<256x16xf32>
    %reduce_sum3A = arith.constant dense<0.000000e+00> : vector<256xf32>
    %reduce_sum3A_67 = vector.multi_reduction <add>, %mul3A, %reduce_sum3A [1] : vector<256x16xf32> to vector<256xf32>
    %broadcast_in_dim3A = vector.shape_cast %reduce_sum3A_67 : vector<256xf32> to vector<256x1xf32>
    %mul3A_68 = arith.mulf %get3A_66, %get3A_66 : vector<8x4096xf32>
    %reduce_sum3A_69 = arith.constant dense<0.000000e+00> : vector<4096xf32>
    %reduce_sum3A_70 = vector.multi_reduction <add>, %mul3A_68, %reduce_sum3A_69 [0] : vector<8x4096xf32> to vector<4096xf32>
    %broadcast_in_dim3A_71 = vector.shape_cast %reduce_sum3A_70 : vector<4096xf32> to vector<1x4096xf32>
    %convert_element_type3A = arith.truncf %get3A_63 : vector<256x16xf32> to vector<256x16xbf16>
    %convert_element_type3A_72 = arith.extf %convert_element_type3A : vector<256x16xbf16> to vector<256x16xf32>
    %convert_element_type3A_73 = arith.truncf %get3A_66 : vector<8x4096xf32> to vector<8x4096xbf16>
    %convert_element_type3A_74 = arith.extf %convert_element_type3A_73 : vector<8x4096xbf16> to vector<8x4096xf32>
    %slice3A = vector.extract_strided_slice %convert_element_type3A_72 {offsets = [0, 0], sizes = [256, 1], strides = [1, 1]} : vector<256x16xf32> to vector<256x1xf32>
    %slice3A_75 = vector.extract_strided_slice %convert_element_type3A_74 {offsets = [0, 0], sizes = [1, 4096], strides = [1, 1]} : vector<8x4096xf32> to vector<1x4096xf32>
    %mul3A_76 = vector.broadcast %slice3A : vector<256x1xf32> to vector<256x4096xf32>
    %mul3A_77 = vector.broadcast %slice3A_75 : vector<1x4096xf32> to vector<256x4096xf32>
    %mul3A_78 = arith.mulf %mul3A_76, %mul3A_77 : vector<256x4096xf32>
    %slice3A_79 = vector.extract_strided_slice %convert_element_type3A_72 {offsets = [0, 1], sizes = [256, 1], strides = [1, 1]} : vector<256x16xf32> to vector<256x1xf32>
    %slice3A_80 = vector.extract_strided_slice %convert_element_type3A_74 {offsets = [1, 0], sizes = [1, 4096], strides = [1, 1]} : vector<8x4096xf32> to vector<1x4096xf32>
    %mul3A_81 = vector.broadcast %slice3A_79 : vector<256x1xf32> to vector<256x4096xf32>
    %mul3A_82 = vector.broadcast %slice3A_80 : vector<1x4096xf32> to vector<256x4096xf32>
    %mul3A_83 = arith.mulf %mul3A_81, %mul3A_82 : vector<256x4096xf32>
    %add3A_84 = arith.addf %mul3A_78, %mul3A_83 : vector<256x4096xf32>
    %slice3A_85 = vector.extract_strided_slice %convert_element_type3A_72 {offsets = [0, 2], sizes = [256, 1], strides = [1, 1]} : vector<256x16xf32> to vector<256x1xf32>
    %slice3A_86 = vector.extract_strided_slice %convert_element_type3A_74 {offsets = [2, 0], sizes = [1, 4096], strides = [1, 1]} : vector<8x4096xf32> to vector<1x4096xf32>
    %mul3A_87 = vector.broadcast %slice3A_85 : vector<256x1xf32> to vector<256x4096xf32>
    %mul3A_88 = vector.broadcast %slice3A_86 : vector<1x4096xf32> to vector<256x4096xf32>
    %mul3A_89 = arith.mulf %mul3A_87, %mul3A_88 : vector<256x4096xf32>
    %add3A_90 = arith.addf %add3A_84, %mul3A_89 : vector<256x4096xf32>
    %add3A_91 = vector.broadcast %broadcast_in_dim3A : vector<256x1xf32> to vector<256x4096xf32>
    %add3A_92 = vector.broadcast %broadcast_in_dim3A_71 : vector<1x4096xf32> to vector<256x4096xf32>
    %add3A_93 = arith.addf %add3A_91, %add3A_92 : vector<256x4096xf32>
    %mul3A_94 = arith.constant 2.000000e+00 : f32
    %mul3A_95 = vector.broadcast %mul3A_94 : f32 to vector<256x4096xf32>
    %mul3A_96 = arith.mulf %mul3A_95, %add3A_90 : vector<256x4096xf32>
    %sub3A = arith.subf %add3A_93, %mul3A_96 : vector<256x4096xf32>
    %iota3A = tpu.iota {dimensions = array<i32: 1>} : vector<256x4096xi32>
    %convert_element_type3A_97 = arith.sitofp %iota3A : vector<256x4096xi32> to vector<256x4096xf32>
    %reduce_min3A = arith.constant dense<0x7F800000> : vector<256xf32>
    %reduce_min3A_98 = vector.multi_reduction <minimumf>, %sub3A, %reduce_min3A [1] : vector<256x4096xf32> to vector<256xf32>
    %broadcast_in_dim3A_99 = vector.shape_cast %reduce_min3A_98 : vector<256xf32> to vector<256x1xf32>
    %eq3A = vector.broadcast %broadcast_in_dim3A_99 : vector<256x1xf32> to vector<256x4096xf32>
    %eq3A_100 = arith.cmpf oeq, %sub3A, %eq3A : vector<256x4096xf32>
    %jit3A = arith.constant 1.000000e+09 : f32
    %broadcast_in_dim3A_101 = vector.broadcast %jit3A : f32 to vector<256x4096xf32>
    %select_n3A = arith.select %eq3A_100, %convert_element_type3A_97, %broadcast_in_dim3A_101 : vector<256x4096xi1>, vector<256x4096xf32>
    %reduce_min3A_102 = arith.constant dense<0x7F800000> : vector<256xf32>
    %reduce_min3A_103 = vector.multi_reduction <minimumf>, %select_n3A, %reduce_min3A_102 [1] : vector<256x4096xf32> to vector<256xf32>
    %broadcast_in_dim3A_104 = vector.shape_cast %reduce_min3A_103 : vector<256xf32> to vector<256x1xf32>
    %jit3A_105 = arith.constant 0x7F800000 : f32
    %broadcast_in_dim3A_106 = vector.broadcast %jit3A_105 : f32 to vector<256x4096xf32>
    %select_n3A_107 = arith.select %eq3A_100, %broadcast_in_dim3A_106, %sub3A : vector<256x4096xi1>, vector<256x4096xf32>
    %reduce_min3A_108 = arith.constant dense<0x7F800000> : vector<256xf32>
    %reduce_min3A_109 = vector.multi_reduction <minimumf>, %select_n3A_107, %reduce_min3A_108 [1] : vector<256x4096xf32> to vector<256xf32>
    %broadcast_in_dim3A_110 = vector.shape_cast %reduce_min3A_109 : vector<256xf32> to vector<256x1xf32>
    %eq3A_111 = vector.broadcast %broadcast_in_dim3A_110 : vector<256x1xf32> to vector<256x4096xf32>
    %eq3A_112 = arith.cmpf oeq, %select_n3A_107, %eq3A_111 : vector<256x4096xf32>
    %jit3A_113 = arith.constant 1.000000e+09 : f32
    %broadcast_in_dim3A_114 = vector.broadcast %jit3A_113 : f32 to vector<256x4096xf32>
    %select_n3A_115 = arith.select %eq3A_112, %convert_element_type3A_97, %broadcast_in_dim3A_114 : vector<256x4096xi1>, vector<256x4096xf32>
    %reduce_min3A_116 = arith.constant dense<0x7F800000> : vector<256xf32>
    %reduce_min3A_117 = vector.multi_reduction <minimumf>, %select_n3A_115, %reduce_min3A_116 [1] : vector<256x4096xf32> to vector<256xf32>
    %broadcast_in_dim3A_118 = vector.shape_cast %reduce_min3A_117 : vector<256xf32> to vector<256x1xf32>
    %jit3A_119 = arith.constant 0x7F800000 : f32
    %broadcast_in_dim3A_120 = vector.broadcast %jit3A_119 : f32 to vector<256x4096xf32>
    %select_n3A_121 = arith.select %eq3A_112, %broadcast_in_dim3A_120, %select_n3A_107 : vector<256x4096xi1>, vector<256x4096xf32>
    %reduce_min3A_122 = arith.constant dense<0x7F800000> : vector<256xf32>
    %reduce_min3A_123 = vector.multi_reduction <minimumf>, %select_n3A_121, %reduce_min3A_122 [1] : vector<256x4096xf32> to vector<256xf32>
    %broadcast_in_dim3A_124 = vector.shape_cast %reduce_min3A_123 : vector<256xf32> to vector<256x1xf32>
    %eq3A_125 = vector.broadcast %broadcast_in_dim3A_124 : vector<256x1xf32> to vector<256x4096xf32>
    %eq3A_126 = arith.cmpf oeq, %select_n3A_121, %eq3A_125 : vector<256x4096xf32>
    %jit3A_127 = arith.constant 1.000000e+09 : f32
    %broadcast_in_dim3A_128 = vector.broadcast %jit3A_127 : f32 to vector<256x4096xf32>
    %select_n3A_129 = arith.select %eq3A_126, %convert_element_type3A_97, %broadcast_in_dim3A_128 : vector<256x4096xi1>, vector<256x4096xf32>
    %reduce_min3A_130 = arith.constant dense<0x7F800000> : vector<256xf32>
    %reduce_min3A_131 = vector.multi_reduction <minimumf>, %select_n3A_129, %reduce_min3A_130 [1] : vector<256x4096xf32> to vector<256xf32>
    %broadcast_in_dim3A_132 = vector.shape_cast %reduce_min3A_131 : vector<256xf32> to vector<256x1xf32>
    %jit3A_133 = arith.constant 0x7F800000 : f32
    %broadcast_in_dim3A_134 = vector.broadcast %jit3A_133 : f32 to vector<256x4096xf32>
    %select_n3A_135 = arith.select %eq3A_126, %broadcast_in_dim3A_134, %select_n3A_121 : vector<256x4096xi1>, vector<256x4096xf32>
    %reduce_min3A_136 = arith.constant dense<0x7F800000> : vector<256xf32>
    %reduce_min3A_137 = vector.multi_reduction <minimumf>, %select_n3A_135, %reduce_min3A_136 [1] : vector<256x4096xf32> to vector<256xf32>
    %broadcast_in_dim3A_138 = vector.shape_cast %reduce_min3A_137 : vector<256xf32> to vector<256x1xf32>
    %eq3A_139 = vector.broadcast %broadcast_in_dim3A_138 : vector<256x1xf32> to vector<256x4096xf32>
    %eq3A_140 = arith.cmpf oeq, %select_n3A_135, %eq3A_139 : vector<256x4096xf32>
    %jit3A_141 = arith.constant 1.000000e+09 : f32
    %broadcast_in_dim3A_142 = vector.broadcast %jit3A_141 : f32 to vector<256x4096xf32>
    %select_n3A_143 = arith.select %eq3A_140, %convert_element_type3A_97, %broadcast_in_dim3A_142 : vector<256x4096xi1>, vector<256x4096xf32>
    %reduce_min3A_144 = arith.constant dense<0x7F800000> : vector<256xf32>
    %reduce_min3A_145 = vector.multi_reduction <minimumf>, %select_n3A_143, %reduce_min3A_144 [1] : vector<256x4096xf32> to vector<256xf32>
    %broadcast_in_dim3A_146 = vector.shape_cast %reduce_min3A_145 : vector<256xf32> to vector<256x1xf32>
    %jit3A_147 = arith.constant 0x7F800000 : f32
    %broadcast_in_dim3A_148 = vector.broadcast %jit3A_147 : f32 to vector<256x4096xf32>
    %select_n3A_149 = arith.select %eq3A_140, %broadcast_in_dim3A_148, %select_n3A_135 : vector<256x4096xi1>, vector<256x4096xf32>
    %reduce_min3A_150 = arith.constant dense<0x7F800000> : vector<256xf32>
    %reduce_min3A_151 = vector.multi_reduction <minimumf>, %select_n3A_149, %reduce_min3A_150 [1] : vector<256x4096xf32> to vector<256xf32>
    %broadcast_in_dim3A_152 = vector.shape_cast %reduce_min3A_151 : vector<256xf32> to vector<256x1xf32>
    %eq3A_153 = vector.broadcast %broadcast_in_dim3A_152 : vector<256x1xf32> to vector<256x4096xf32>
    %eq3A_154 = arith.cmpf oeq, %select_n3A_149, %eq3A_153 : vector<256x4096xf32>
    %jit3A_155 = arith.constant 1.000000e+09 : f32
    %broadcast_in_dim3A_156 = vector.broadcast %jit3A_155 : f32 to vector<256x4096xf32>
    %select_n3A_157 = arith.select %eq3A_154, %convert_element_type3A_97, %broadcast_in_dim3A_156 : vector<256x4096xi1>, vector<256x4096xf32>
    %reduce_min3A_158 = arith.constant dense<0x7F800000> : vector<256xf32>
    %reduce_min3A_159 = vector.multi_reduction <minimumf>, %select_n3A_157, %reduce_min3A_158 [1] : vector<256x4096xf32> to vector<256xf32>
    %broadcast_in_dim3A_160 = vector.shape_cast %reduce_min3A_159 : vector<256xf32> to vector<256x1xf32>
    %jit3A_161 = arith.constant 0x7F800000 : f32
    %broadcast_in_dim3A_162 = vector.broadcast %jit3A_161 : f32 to vector<256x4096xf32>
    %select_n3A_163 = arith.select %eq3A_154, %broadcast_in_dim3A_162, %select_n3A_149 : vector<256x4096xi1>, vector<256x4096xf32>
    %reduce_min3A_164 = arith.constant dense<0x7F800000> : vector<256xf32>
    %reduce_min3A_165 = vector.multi_reduction <minimumf>, %select_n3A_163, %reduce_min3A_164 [1] : vector<256x4096xf32> to vector<256xf32>
    %broadcast_in_dim3A_166 = vector.shape_cast %reduce_min3A_165 : vector<256xf32> to vector<256x1xf32>
    %eq3A_167 = vector.broadcast %broadcast_in_dim3A_166 : vector<256x1xf32> to vector<256x4096xf32>
    %eq3A_168 = arith.cmpf oeq, %select_n3A_163, %eq3A_167 : vector<256x4096xf32>
    %jit3A_169 = arith.constant 1.000000e+09 : f32
    %broadcast_in_dim3A_170 = vector.broadcast %jit3A_169 : f32 to vector<256x4096xf32>
    %select_n3A_171 = arith.select %eq3A_168, %convert_element_type3A_97, %broadcast_in_dim3A_170 : vector<256x4096xi1>, vector<256x4096xf32>
    %reduce_min3A_172 = arith.constant dense<0x7F800000> : vector<256xf32>
    %reduce_min3A_173 = vector.multi_reduction <minimumf>, %select_n3A_171, %reduce_min3A_172 [1] : vector<256x4096xf32> to vector<256xf32>
    %broadcast_in_dim3A_174 = vector.shape_cast %reduce_min3A_173 : vector<256xf32> to vector<256x1xf32>
    %jit3A_175 = arith.constant 0x7F800000 : f32
    %broadcast_in_dim3A_176 = vector.broadcast %jit3A_175 : f32 to vector<256x4096xf32>
    %select_n3A_177 = arith.select %eq3A_168, %broadcast_in_dim3A_176, %select_n3A_163 : vector<256x4096xi1>, vector<256x4096xf32>
    %reduce_min3A_178 = arith.constant dense<0x7F800000> : vector<256xf32>
    %reduce_min3A_179 = vector.multi_reduction <minimumf>, %select_n3A_177, %reduce_min3A_178 [1] : vector<256x4096xf32> to vector<256xf32>
    %broadcast_in_dim3A_180 = vector.shape_cast %reduce_min3A_179 : vector<256xf32> to vector<256x1xf32>
    %eq3A_181 = vector.broadcast %broadcast_in_dim3A_180 : vector<256x1xf32> to vector<256x4096xf32>
    %eq3A_182 = arith.cmpf oeq, %select_n3A_177, %eq3A_181 : vector<256x4096xf32>
    %jit3A_183 = arith.constant 1.000000e+09 : f32
    %broadcast_in_dim3A_184 = vector.broadcast %jit3A_183 : f32 to vector<256x4096xf32>
    %select_n3A_185 = arith.select %eq3A_182, %convert_element_type3A_97, %broadcast_in_dim3A_184 : vector<256x4096xi1>, vector<256x4096xf32>
    %reduce_min3A_186 = arith.constant dense<0x7F800000> : vector<256xf32>
    %reduce_min3A_187 = vector.multi_reduction <minimumf>, %select_n3A_185, %reduce_min3A_186 [1] : vector<256x4096xf32> to vector<256xf32>
    %broadcast_in_dim3A_188 = vector.shape_cast %reduce_min3A_187 : vector<256xf32> to vector<256x1xf32>
    %jit3A_189 = arith.constant 0x7F800000 : f32
    %broadcast_in_dim3A_190 = vector.broadcast %jit3A_189 : f32 to vector<256x4096xf32>
    %select_n3A_191 = arith.select %eq3A_182, %broadcast_in_dim3A_190, %select_n3A_177 : vector<256x4096xi1>, vector<256x4096xf32>
    %reduce_min3A_192 = arith.constant dense<0x7F800000> : vector<256xf32>
    %reduce_min3A_193 = vector.multi_reduction <minimumf>, %select_n3A_191, %reduce_min3A_192 [1] : vector<256x4096xf32> to vector<256xf32>
    %broadcast_in_dim3A_194 = vector.shape_cast %reduce_min3A_193 : vector<256xf32> to vector<256x1xf32>
    %eq3A_195 = vector.broadcast %broadcast_in_dim3A_194 : vector<256x1xf32> to vector<256x4096xf32>
    %eq3A_196 = arith.cmpf oeq, %select_n3A_191, %eq3A_195 : vector<256x4096xf32>
    %jit3A_197 = arith.constant 1.000000e+09 : f32
    %broadcast_in_dim3A_198 = vector.broadcast %jit3A_197 : f32 to vector<256x4096xf32>
    %select_n3A_199 = arith.select %eq3A_196, %convert_element_type3A_97, %broadcast_in_dim3A_198 : vector<256x4096xi1>, vector<256x4096xf32>
    %reduce_min3A_200 = arith.constant dense<0x7F800000> : vector<256xf32>
    %reduce_min3A_201 = vector.multi_reduction <minimumf>, %select_n3A_199, %reduce_min3A_200 [1] : vector<256x4096xf32> to vector<256xf32>
    %broadcast_in_dim3A_202 = vector.shape_cast %reduce_min3A_201 : vector<256xf32> to vector<256x1xf32>
    %jit3A_203 = arith.constant 0x7F800000 : f32
    %broadcast_in_dim3A_204 = vector.broadcast %jit3A_203 : f32 to vector<256x4096xf32>
    %select_n3A_205 = arith.select %eq3A_196, %broadcast_in_dim3A_204, %select_n3A_191 : vector<256x4096xi1>, vector<256x4096xf32>
    %reduce_min3A_206 = arith.constant dense<0x7F800000> : vector<256xf32>
    %reduce_min3A_207 = vector.multi_reduction <minimumf>, %select_n3A_205, %reduce_min3A_206 [1] : vector<256x4096xf32> to vector<256xf32>
    %broadcast_in_dim3A_208 = vector.shape_cast %reduce_min3A_207 : vector<256xf32> to vector<256x1xf32>
    %eq3A_209 = vector.broadcast %broadcast_in_dim3A_208 : vector<256x1xf32> to vector<256x4096xf32>
    %eq3A_210 = arith.cmpf oeq, %select_n3A_205, %eq3A_209 : vector<256x4096xf32>
    %jit3A_211 = arith.constant 1.000000e+09 : f32
    %broadcast_in_dim3A_212 = vector.broadcast %jit3A_211 : f32 to vector<256x4096xf32>
    %select_n3A_213 = arith.select %eq3A_210, %convert_element_type3A_97, %broadcast_in_dim3A_212 : vector<256x4096xi1>, vector<256x4096xf32>
    %reduce_min3A_214 = arith.constant dense<0x7F800000> : vector<256xf32>
    %reduce_min3A_215 = vector.multi_reduction <minimumf>, %select_n3A_213, %reduce_min3A_214 [1] : vector<256x4096xf32> to vector<256xf32>
    %broadcast_in_dim3A_216 = vector.shape_cast %reduce_min3A_215 : vector<256xf32> to vector<256x1xf32>
    %jit3A_217 = arith.constant 0x7F800000 : f32
    %broadcast_in_dim3A_218 = vector.broadcast %jit3A_217 : f32 to vector<256x4096xf32>
    %select_n3A_219 = arith.select %eq3A_210, %broadcast_in_dim3A_218, %select_n3A_205 : vector<256x4096xi1>, vector<256x4096xf32>
    %reduce_min3A_220 = arith.constant dense<0x7F800000> : vector<256xf32>
    %reduce_min3A_221 = vector.multi_reduction <minimumf>, %select_n3A_219, %reduce_min3A_220 [1] : vector<256x4096xf32> to vector<256xf32>
    %broadcast_in_dim3A_222 = vector.shape_cast %reduce_min3A_221 : vector<256xf32> to vector<256x1xf32>
    %eq3A_223 = vector.broadcast %broadcast_in_dim3A_222 : vector<256x1xf32> to vector<256x4096xf32>
    %eq3A_224 = arith.cmpf oeq, %select_n3A_219, %eq3A_223 : vector<256x4096xf32>
    %jit3A_225 = arith.constant 1.000000e+09 : f32
    %broadcast_in_dim3A_226 = vector.broadcast %jit3A_225 : f32 to vector<256x4096xf32>
    %select_n3A_227 = arith.select %eq3A_224, %convert_element_type3A_97, %broadcast_in_dim3A_226 : vector<256x4096xi1>, vector<256x4096xf32>
    %reduce_min3A_228 = arith.constant dense<0x7F800000> : vector<256xf32>
    %reduce_min3A_229 = vector.multi_reduction <minimumf>, %select_n3A_227, %reduce_min3A_228 [1] : vector<256x4096xf32> to vector<256xf32>
    %broadcast_in_dim3A_230 = vector.shape_cast %reduce_min3A_229 : vector<256xf32> to vector<256x1xf32>
    %jit3A_231 = arith.constant 0x7F800000 : f32
    %broadcast_in_dim3A_232 = vector.broadcast %jit3A_231 : f32 to vector<256x4096xf32>
    %select_n3A_233 = arith.select %eq3A_224, %broadcast_in_dim3A_232, %select_n3A_219 : vector<256x4096xi1>, vector<256x4096xf32>
    %reduce_min3A_234 = arith.constant dense<0x7F800000> : vector<256xf32>
    %reduce_min3A_235 = vector.multi_reduction <minimumf>, %select_n3A_233, %reduce_min3A_234 [1] : vector<256x4096xf32> to vector<256xf32>
    %broadcast_in_dim3A_236 = vector.shape_cast %reduce_min3A_235 : vector<256xf32> to vector<256x1xf32>
    %eq3A_237 = vector.broadcast %broadcast_in_dim3A_236 : vector<256x1xf32> to vector<256x4096xf32>
    %eq3A_238 = arith.cmpf oeq, %select_n3A_233, %eq3A_237 : vector<256x4096xf32>
    %jit3A_239 = arith.constant 1.000000e+09 : f32
    %broadcast_in_dim3A_240 = vector.broadcast %jit3A_239 : f32 to vector<256x4096xf32>
    %select_n3A_241 = arith.select %eq3A_238, %convert_element_type3A_97, %broadcast_in_dim3A_240 : vector<256x4096xi1>, vector<256x4096xf32>
    %reduce_min3A_242 = arith.constant dense<0x7F800000> : vector<256xf32>
    %reduce_min3A_243 = vector.multi_reduction <minimumf>, %select_n3A_241, %reduce_min3A_242 [1] : vector<256x4096xf32> to vector<256xf32>
    %broadcast_in_dim3A_244 = vector.shape_cast %reduce_min3A_243 : vector<256xf32> to vector<256x1xf32>
    %jit3A_245 = arith.constant 0x7F800000 : f32
    %broadcast_in_dim3A_246 = vector.broadcast %jit3A_245 : f32 to vector<256x4096xf32>
    %select_n3A_247 = arith.select %eq3A_238, %broadcast_in_dim3A_246, %select_n3A_233 : vector<256x4096xi1>, vector<256x4096xf32>
    %reduce_min3A_248 = arith.constant dense<0x7F800000> : vector<256xf32>
    %reduce_min3A_249 = vector.multi_reduction <minimumf>, %select_n3A_247, %reduce_min3A_248 [1] : vector<256x4096xf32> to vector<256xf32>
    %broadcast_in_dim3A_250 = vector.shape_cast %reduce_min3A_249 : vector<256xf32> to vector<256x1xf32>
    %eq3A_251 = vector.broadcast %broadcast_in_dim3A_250 : vector<256x1xf32> to vector<256x4096xf32>
    %eq3A_252 = arith.cmpf oeq, %select_n3A_247, %eq3A_251 : vector<256x4096xf32>
    %jit3A_253 = arith.constant 1.000000e+09 : f32
    %broadcast_in_dim3A_254 = vector.broadcast %jit3A_253 : f32 to vector<256x4096xf32>
    %select_n3A_255 = arith.select %eq3A_252, %convert_element_type3A_97, %broadcast_in_dim3A_254 : vector<256x4096xi1>, vector<256x4096xf32>
    %reduce_min3A_256 = arith.constant dense<0x7F800000> : vector<256xf32>
    %reduce_min3A_257 = vector.multi_reduction <minimumf>, %select_n3A_255, %reduce_min3A_256 [1] : vector<256x4096xf32> to vector<256xf32>
    %broadcast_in_dim3A_258 = vector.shape_cast %reduce_min3A_257 : vector<256xf32> to vector<256x1xf32>
    %jit3A_259 = arith.constant 0x7F800000 : f32
    %broadcast_in_dim3A_260 = vector.broadcast %jit3A_259 : f32 to vector<256x4096xf32>
    %select_n3A_261 = arith.select %eq3A_252, %broadcast_in_dim3A_260, %select_n3A_247 : vector<256x4096xi1>, vector<256x4096xf32>
    %reduce_min3A_262 = arith.constant dense<0x7F800000> : vector<256xf32>
    %reduce_min3A_263 = vector.multi_reduction <minimumf>, %select_n3A_261, %reduce_min3A_262 [1] : vector<256x4096xf32> to vector<256xf32>
    %broadcast_in_dim3A_264 = vector.shape_cast %reduce_min3A_263 : vector<256xf32> to vector<256x1xf32>
    %eq3A_265 = vector.broadcast %broadcast_in_dim3A_264 : vector<256x1xf32> to vector<256x4096xf32>
    %eq3A_266 = arith.cmpf oeq, %select_n3A_261, %eq3A_265 : vector<256x4096xf32>
    %jit3A_267 = arith.constant 1.000000e+09 : f32
    %broadcast_in_dim3A_268 = vector.broadcast %jit3A_267 : f32 to vector<256x4096xf32>
    %select_n3A_269 = arith.select %eq3A_266, %convert_element_type3A_97, %broadcast_in_dim3A_268 : vector<256x4096xi1>, vector<256x4096xf32>
    %reduce_min3A_270 = arith.constant dense<0x7F800000> : vector<256xf32>
    %reduce_min3A_271 = vector.multi_reduction <minimumf>, %select_n3A_269, %reduce_min3A_270 [1] : vector<256x4096xf32> to vector<256xf32>
    %broadcast_in_dim3A_272 = vector.shape_cast %reduce_min3A_271 : vector<256xf32> to vector<256x1xf32>
    %jit3A_273 = arith.constant 0x7F800000 : f32
    %broadcast_in_dim3A_274 = vector.broadcast %jit3A_273 : f32 to vector<256x4096xf32>
    %select_n3A_275 = arith.select %eq3A_266, %broadcast_in_dim3A_274, %select_n3A_261 : vector<256x4096xi1>, vector<256x4096xf32>
    %reduce_min3A_276 = arith.constant dense<0x7F800000> : vector<256xf32>
    %reduce_min3A_277 = vector.multi_reduction <minimumf>, %select_n3A_275, %reduce_min3A_276 [1] : vector<256x4096xf32> to vector<256xf32>
    %broadcast_in_dim3A_278 = vector.shape_cast %reduce_min3A_277 : vector<256xf32> to vector<256x1xf32>
    %eq3A_279 = vector.broadcast %broadcast_in_dim3A_278 : vector<256x1xf32> to vector<256x4096xf32>
    %eq3A_280 = arith.cmpf oeq, %select_n3A_275, %eq3A_279 : vector<256x4096xf32>
    %jit3A_281 = arith.constant 1.000000e+09 : f32
    %broadcast_in_dim3A_282 = vector.broadcast %jit3A_281 : f32 to vector<256x4096xf32>
    %select_n3A_283 = arith.select %eq3A_280, %convert_element_type3A_97, %broadcast_in_dim3A_282 : vector<256x4096xi1>, vector<256x4096xf32>
    %reduce_min3A_284 = arith.constant dense<0x7F800000> : vector<256xf32>
    %reduce_min3A_285 = vector.multi_reduction <minimumf>, %select_n3A_283, %reduce_min3A_284 [1] : vector<256x4096xf32> to vector<256xf32>
    %broadcast_in_dim3A_286 = vector.shape_cast %reduce_min3A_285 : vector<256xf32> to vector<256x1xf32>
    %jit3A_287 = arith.constant 0x7F800000 : f32
    %broadcast_in_dim3A_288 = vector.broadcast %jit3A_287 : f32 to vector<256x4096xf32>
    %select_n3A_289 = arith.select %eq3A_280, %broadcast_in_dim3A_288, %select_n3A_275 : vector<256x4096xi1>, vector<256x4096xf32>
    %reduce_min3A_290 = arith.constant dense<0x7F800000> : vector<256xf32>
    %reduce_min3A_291 = vector.multi_reduction <minimumf>, %select_n3A_289, %reduce_min3A_290 [1] : vector<256x4096xf32> to vector<256xf32>
    %broadcast_in_dim3A_292 = vector.shape_cast %reduce_min3A_291 : vector<256xf32> to vector<256x1xf32>
    %eq3A_293 = vector.broadcast %broadcast_in_dim3A_292 : vector<256x1xf32> to vector<256x4096xf32>
    %eq3A_294 = arith.cmpf oeq, %select_n3A_289, %eq3A_293 : vector<256x4096xf32>
    %jit3A_295 = arith.constant 1.000000e+09 : f32
    %broadcast_in_dim3A_296 = vector.broadcast %jit3A_295 : f32 to vector<256x4096xf32>
    %select_n3A_297 = arith.select %eq3A_294, %convert_element_type3A_97, %broadcast_in_dim3A_296 : vector<256x4096xi1>, vector<256x4096xf32>
    %reduce_min3A_298 = arith.constant dense<0x7F800000> : vector<256xf32>
    %reduce_min3A_299 = vector.multi_reduction <minimumf>, %select_n3A_297, %reduce_min3A_298 [1] : vector<256x4096xf32> to vector<256xf32>
    %broadcast_in_dim3A_300 = vector.shape_cast %reduce_min3A_299 : vector<256xf32> to vector<256x1xf32>
    %jit3A_301 = arith.constant 0x7F800000 : f32
    %broadcast_in_dim3A_302 = vector.broadcast %jit3A_301 : f32 to vector<256x4096xf32>
    %select_n3A_303 = arith.select %eq3A_294, %broadcast_in_dim3A_302, %select_n3A_289 : vector<256x4096xi1>, vector<256x4096xf32>
    %reduce_min3A_304 = arith.constant dense<0x7F800000> : vector<256xf32>
    %reduce_min3A_305 = vector.multi_reduction <minimumf>, %select_n3A_303, %reduce_min3A_304 [1] : vector<256x4096xf32> to vector<256xf32>
    %broadcast_in_dim3A_306 = vector.shape_cast %reduce_min3A_305 : vector<256xf32> to vector<256x1xf32>
    %eq3A_307 = vector.broadcast %broadcast_in_dim3A_306 : vector<256x1xf32> to vector<256x4096xf32>
    %eq3A_308 = arith.cmpf oeq, %select_n3A_303, %eq3A_307 : vector<256x4096xf32>
    %jit3A_309 = arith.constant 1.000000e+09 : f32
    %broadcast_in_dim3A_310 = vector.broadcast %jit3A_309 : f32 to vector<256x4096xf32>
    %select_n3A_311 = arith.select %eq3A_308, %convert_element_type3A_97, %broadcast_in_dim3A_310 : vector<256x4096xi1>, vector<256x4096xf32>
    %reduce_min3A_312 = arith.constant dense<0x7F800000> : vector<256xf32>
    %reduce_min3A_313 = vector.multi_reduction <minimumf>, %select_n3A_311, %reduce_min3A_312 [1] : vector<256x4096xf32> to vector<256xf32>
    %broadcast_in_dim3A_314 = vector.shape_cast %reduce_min3A_313 : vector<256xf32> to vector<256x1xf32>
    %concatenate3A = tpu.concatenate %broadcast_in_dim3A_104, %broadcast_in_dim3A_118, %broadcast_in_dim3A_132, %broadcast_in_dim3A_146, %broadcast_in_dim3A_160, %broadcast_in_dim3A_174, %broadcast_in_dim3A_188, %broadcast_in_dim3A_202, %broadcast_in_dim3A_216, %broadcast_in_dim3A_230, %broadcast_in_dim3A_244, %broadcast_in_dim3A_258, %broadcast_in_dim3A_272, %broadcast_in_dim3A_286, %broadcast_in_dim3A_300, %broadcast_in_dim3A_314 in 1 : vector<256x1xf32>, vector<256x1xf32>, vector<256x1xf32>, vector<256x1xf32>, vector<256x1xf32>, vector<256x1xf32>, vector<256x1xf32>, vector<256x1xf32>, vector<256x1xf32>, vector<256x1xf32>, vector<256x1xf32>, vector<256x1xf32>, vector<256x1xf32>, vector<256x1xf32>, vector<256x1xf32>, vector<256x1xf32> -> vector<256x16xf32>
    %convert_element_type3A_315 = arith.fptosi %concatenate3A : vector<256x16xf32> to vector<256x16xi32>
    %swap3A_316 = arith.constant 0 : index
    %swap3A_317 = arith.constant 0 : index
    %swap3A_318 = vector.load %arg18[%swap3A_316, %swap3A_317] : memref<256x16xi32, #tpu.memory_space<vmem>>, vector<256x16xi32>
    tpu.vector_store %arg18[%swap3A_316, %swap3A_317], %convert_element_type3A_315 {strides = array<i32>} : memref<256x16xi32, #tpu.memory_space<vmem>>, vector<256x16xi32>,
    return
  }
  func.func @transform_0(%arg0: i32) -> (i32, i32) {
    %c0_i32 = arith.constant 0 : i32
    %c0_i32_0 = arith.constant 0 : i32
    return %arg0, %c0_i32 : i32, i32
  }
  func.func @transform_1(%arg0: i32) -> (i32, i32) {
    %c0_i32 = arith.constant 0 : i32
    %c0_i32_0 = arith.constant 0 : i32
    return %arg0, %c0_i32 : i32, i32
  }
  func.func @transform_2(%arg0: i32) -> (i32, i32) {
    %c0_i32 = arith.constant 0 : i32
    %c0_i32_0 = arith.constant 0 : i32
    return %arg0, %c0_i32 : i32, i32
  }
  func.func @transform_3(%arg0: i32) -> (i32, i32) {
    %c0_i32 = arith.constant 0 : i32
    %c0_i32_0 = arith.constant 0 : i32
    %c0_i32_1 = arith.constant 0 : i32
    return %c0_i32, %c0_i32_0 : i32, i32
  }
  func.func @transform_4(%arg0: i32) -> (i32, i32) {
    %c0_i32 = arith.constant 0 : i32
    %c0_i32_0 = arith.constant 0 : i32
    %c0_i32_1 = arith.constant 0 : i32
    return %c0_i32, %c0_i32_0 : i32, i32
  }
  func.func @transform_5(%arg0: i32) -> (i32, i32) {
    %c0_i32 = arith.constant 0 : i32
    %c0_i32_0 = arith.constant 0 : i32
    %c0_i32_1 = arith.constant 0 : i32
    return %c0_i32, %c0_i32_0 : i32, i32
  }
  func.func @transform_6(%arg0: i32) -> (i32, i32) {
    %c0_i32 = arith.constant 0 : i32
    %c0_i32_0 = arith.constant 0 : i32
    %c0_i32_1 = arith.constant 0 : i32
    return %c0_i32, %c0_i32_0 : i32, i32
  }
  func.func @transform_7(%arg0: i32) -> (i32, i32) {
    %c0_i32 = arith.constant 0 : i32
    %c0_i32_0 = arith.constant 0 : i32
    %c0_i32_1 = arith.constant 0 : i32
    return %c0_i32, %c0_i32_0 : i32, i32
  }
  func.func @transform_8(%arg0: i32) -> (i32, i32) {
    %c0_i32 = arith.constant 0 : i32
    %c0_i32_0 = arith.constant 0 : i32
    %c0_i32_1 = arith.constant 0 : i32
    return %c0_i32, %c0_i32_0 : i32, i32
  }
  func.func @transform_9(%arg0: i32) -> (i32, i32) {
    %c0_i32 = arith.constant 0 : i32
    %c0_i32_0 = arith.constant 0 : i32
    %c0_i32_1 = arith.constant 0 : i32
    return %c0_i32, %c0_i32_0 : i32, i32
  }
  func.func @transform_10(%arg0: i32) -> (i32, i32) {
    %c0_i32 = arith.constant 0 : i32
    %c0_i32_0 = arith.constant 0 : i32
    %c0_i32_1 = arith.constant 0 : i32
    return %c0_i32, %c0_i32_0 : i32, i32
  }
  func.func @transform_11(%arg0: i32) -> (i32, i32) {
    %c0_i32 = arith.constant 0 : i32
    %c0_i32_0 = arith.constant 0 : i32
    %c0_i32_1 = arith.constant 0 : i32
    return %c0_i32, %c0_i32_0 : i32, i32
  }
  func.func @transform_12(%arg0: i32) -> (i32, i32) {
    %c0_i32 = arith.constant 0 : i32
    %c0_i32_0 = arith.constant 0 : i32
    %c0_i32_1 = arith.constant 0 : i32
    return %c0_i32, %c0_i32_0 : i32, i32
  }
  func.func @transform_13(%arg0: i32) -> (i32, i32) {
    %c0_i32 = arith.constant 0 : i32
    %c0_i32_0 = arith.constant 0 : i32
    %c0_i32_1 = arith.constant 0 : i32
    return %c0_i32, %c0_i32_0 : i32, i32
  }
  func.func @transform_14(%arg0: i32) -> (i32, i32) {
    %c0_i32 = arith.constant 0 : i32
    %c0_i32_0 = arith.constant 0 : i32
    return %arg0, %c0_i32 : i32, i32
  }
  func.func @transform_15(%arg0: i32) -> (i32, i32) {
    %c0_i32 = arith.constant 0 : i32
    %c0_i32_0 = arith.constant 0 : i32
    return %arg0, %c0_i32 : i32, i32
  }
  func.func @transform_16(%arg0: i32) -> (i32, i32) {
    %c0_i32 = arith.constant 0 : i32
    %c0_i32_0 = arith.constant 0 : i32
    return %arg0, %c0_i32 : i32, i32
  }
  func.func @transform_17(%arg0: i32) -> (i32, i32) {
    %c0_i32 = arith.constant 0 : i32
    %c0_i32_0 = arith.constant 0 : i32
    return %arg0, %c0_i32 : i32, i32
  }
}

module attributes {stable_mosaic.version = 14 : i64} {
  func.func @_stats_body(%arg0: i32, %arg1: memref<4096x128xf32, #tpu.memory_space<vmem>>, %arg2: memref<256x16xf32, #tpu.memory_space<vmem>>, %arg3: memref<256x256xf32, #tpu.memory_space<vmem>>, %arg4: memref<4096x256xf32, #tpu.memory_space<vmem>>, %arg5: memref<16x64xf32, #tpu.memory_space<vmem>>, %arg6: memref<1x64xf32, #tpu.memory_space<vmem>>, %arg7: memref<1x64xf32, #tpu.memory_space<vmem>>, %arg8: memref<1x64xf32, #tpu.memory_space<vmem>>, %arg9: memref<256x64xf32, #tpu.memory_space<vmem>>, %arg10: memref<1x256xf32, #tpu.memory_space<vmem>>, %arg11: memref<256x1024xf32, #tpu.memory_space<vmem>>, %arg12: memref<1x1024xf32, #tpu.memory_space<vmem>>, %arg13: memref<1x1024xf32, #tpu.memory_space<vmem>>, %arg14: memref<1x1024xf32, #tpu.memory_space<vmem>>, %arg15: memref<16x64xf32, #tpu.memory_space<vmem>>, %arg16: memref<1x64xf32, #tpu.memory_space<vmem>>, %arg17: memref<256x1024xf32, #tpu.memory_space<vmem>>, %arg18: memref<1x1024xf32, #tpu.memory_space<vmem>>, %arg19: memref<1x64xf32, #tpu.memory_space<vmem>>, %arg20: memref<1x64xf32, #tpu.memory_space<vmem>>, %arg21: memref<1x256xf32, #tpu.memory_space<vmem>>, %arg22: memref<256x256xf32, #tpu.memory_space<vmem>>) attributes {dimension_semantics = [#tpu.dimension_semantics<arbitrary>], iteration_bounds = array<i64: 34>, scalar_prefetch = 0 : i64, scratch_operands = 4 : i64, tpu.core_type = #tpu.core_type<tc>, window_params = [{transform_indices = @transform_0, window_bounds = array<i64: 4096, 128>}, {transform_indices = @transform_1, window_bounds = array<i64: 256, 16>}, {transform_indices = @transform_2, window_bounds = array<i64: 256, 256>}, {transform_indices = @transform_3, window_bounds = array<i64: 4096, 256>}, {pipeline_mode = #tpu.pipeline_mode<synchronous>, transform_indices = @transform_4, window_bounds = array<i64: 16, 64>}, {pipeline_mode = #tpu.pipeline_mode<synchronous>, transform_indices = @transform_5, window_bounds = array<i64: 1, 64>}, {pipeline_mode = #tpu.pipeline_mode<synchronous>, transform_indices = @transform_6, window_bounds = array<i64: 1, 64>}, {pipeline_mode = #tpu.pipeline_mode<synchronous>, transform_indices = @transform_7, window_bounds = array<i64: 1, 64>}, {pipeline_mode = #tpu.pipeline_mode<synchronous>, transform_indices = @transform_8, window_bounds = array<i64: 256, 64>}, {pipeline_mode = #tpu.pipeline_mode<synchronous>, transform_indices = @transform_9, window_bounds = array<i64: 1, 256>}, {pipeline_mode = #tpu.pipeline_mode<synchronous>, transform_indices = @transform_10, window_bounds = array<i64: 256, 1024>}, {pipeline_mode = #tpu.pipeline_mode<synchronous>, transform_indices = @transform_11, window_bounds = array<i64: 1, 1024>}, {pipeline_mode = #tpu.pipeline_mode<synchronous>, transform_indices = @transform_12, window_bounds = array<i64: 1, 1024>}, {pipeline_mode = #tpu.pipeline_mode<synchronous>, transform_indices = @transform_13, window_bounds = array<i64: 1, 1024>}, {pipeline_mode = #tpu.pipeline_mode<synchronous>, transform_indices = @transform_14, window_bounds = array<i64: 16, 64>}, {pipeline_mode = #tpu.pipeline_mode<synchronous>, transform_indices = @transform_15, window_bounds = array<i64: 1, 64>}, {pipeline_mode = #tpu.pipeline_mode<synchronous>, transform_indices = @transform_16, window_bounds = array<i64: 256, 1024>}, {pipeline_mode = #tpu.pipeline_mode<synchronous>, transform_indices = @transform_17, window_bounds = array<i64: 1, 1024>}]} {
    %eq3A = arith.constant 0 : i32
    %eq3A_0 = arith.cmpi eq, %arg0, %eq3A : i32
    %convert_element_type3A = arith.extui %eq3A_0 : i1 to i32
    %cond3A = arith.constant 0 : i32
    %cond3A_1 = arith.cmpi ne, %convert_element_type3A, %cond3A : i32
    scf.if %cond3A_1 {
      %broadcast_in_dim3A = arith.constant 0.000000e+00 : f32
      %broadcast_in_dim3A_23 = vector.broadcast %broadcast_in_dim3A : f32 to vector<1x64xf32>
      %swap3A = arith.constant 0 : index
      %swap3A_24 = arith.constant 0 : index
      %swap3A_25 = vector.load %arg19[%swap3A, %swap3A_24] : memref<1x64xf32, #tpu.memory_space<vmem>>, vector<1x64xf32>
      tpu.vector_store %arg19[%swap3A, %swap3A_24], %broadcast_in_dim3A_23 {strides = array<i32>} : memref<1x64xf32, #tpu.memory_space<vmem>>, vector<1x64xf32>,
      %broadcast_in_dim3A_26 = arith.constant 0.000000e+00 : f32
      %broadcast_in_dim3A_27 = vector.broadcast %broadcast_in_dim3A_26 : f32 to vector<1x64xf32>
      %swap3A_28 = arith.constant 0 : index
      %swap3A_29 = arith.constant 0 : index
      %swap3A_30 = vector.load %arg20[%swap3A_28, %swap3A_29] : memref<1x64xf32, #tpu.memory_space<vmem>>, vector<1x64xf32>
      tpu.vector_store %arg20[%swap3A_28, %swap3A_29], %broadcast_in_dim3A_27 {strides = array<i32>} : memref<1x64xf32, #tpu.memory_space<vmem>>, vector<1x64xf32>,
      %broadcast_in_dim3A_31 = arith.constant 0.000000e+00 : f32
      %broadcast_in_dim3A_32 = vector.broadcast %broadcast_in_dim3A_31 : f32 to vector<1x256xf32>
      %swap3A_33 = arith.constant 0 : index
      %swap3A_34 = arith.constant 0 : index
      %swap3A_35 = vector.load %arg21[%swap3A_33, %swap3A_34] : memref<1x256xf32, #tpu.memory_space<vmem>>, vector<1x256xf32>
      tpu.vector_store %arg21[%swap3A_33, %swap3A_34], %broadcast_in_dim3A_32 {strides = array<i32>} : memref<1x256xf32, #tpu.memory_space<vmem>>, vector<1x256xf32>,
      %broadcast_in_dim3A_36 = arith.constant 0.000000e+00 : f32
      %broadcast_in_dim3A_37 = vector.broadcast %broadcast_in_dim3A_36 : f32 to vector<256x256xf32>
      %swap3A_38 = arith.constant 0 : index
      %swap3A_39 = arith.constant 0 : index
      %swap3A_40 = vector.load %arg22[%swap3A_38, %swap3A_39] : memref<256x256xf32, #tpu.memory_space<vmem>>, vector<256x256xf32>
      tpu.vector_store %arg22[%swap3A_38, %swap3A_39], %broadcast_in_dim3A_37 {strides = array<i32>} : memref<256x256xf32, #tpu.memory_space<vmem>>, vector<256x256xf32>,
    } else {
    }
    %lt3A = arith.constant 16 : i32
    %lt3A_2 = arith.cmpi slt, %arg0, %lt3A : i32
    %convert_element_type3A_3 = arith.extui %lt3A_2 : i1 to i32
    %cond3A_4 = arith.constant 0 : i32
    %cond3A_5 = arith.cmpi ne, %convert_element_type3A_3, %cond3A_4 : i32
    scf.if %cond3A_5 {
      %get3A = arith.constant 0 : index
      %get3A_23 = arith.constant 0 : index
      %get3A_24 = vector.load %arg1[%get3A, %get3A_23] : memref<4096x128xf32, #tpu.memory_space<vmem>>, vector<4096x128xf32>
      %slice3A = vector.extract_strided_slice %get3A_24 {offsets = [0, 0], sizes = [4096, 16], strides = [1, 1]} : vector<4096x128xf32> to vector<4096x16xf32>
      %reshape3A = vector.shape_cast %slice3A : vector<4096x16xf32> to vector<256x16x16xf32>
      %get3A_25 = arith.constant 0 : index
      %get3A_26 = arith.constant 0 : index
      %get3A_27 = vector.load %arg2[%get3A_25, %get3A_26] : memref<256x16xf32, #tpu.memory_space<vmem>>, vector<256x16xf32>
      %broadcast_in_dim3A = vector.shape_cast %get3A_27 : vector<256x16xf32> to vector<256x1x16xf32>
      %sub3A = vector.broadcast %broadcast_in_dim3A : vector<256x1x16xf32> to vector<256x16x16xf32>
      %sub3A_28 = arith.subf %sub3A, %reshape3A : vector<256x16x16xf32>
      %reshape3A_29 = vector.shape_cast %sub3A_28 : vector<256x16x16xf32> to vector<4096x16xf32>
      %get3A_30 = arith.constant 0 : index
      %get3A_31 = arith.constant 0 : index
      %get3A_32 = vector.load %arg5[%get3A_30, %get3A_31] : memref<16x64xf32, #tpu.memory_space<vmem>>, vector<16x64xf32>
      %dot_general3A = arith.constant dense<0.000000e+00> : vector<4096x64xf32>
      %dot_general3A_33 = tpu.matmul %reshape3A_29, %get3A_32, %dot_general3A {dimension_numbers = #tpu.dot_dimension_numbers<[1], [0], [0], [1], [0, 0, 1, 1], [], []>, precision = #tpu.contract_precision<fp32>, transpose_lhs_hint = false} : vector<4096x16xf32>, vector<16x64xf32>, vector<4096x64xf32> -> vector<4096x64xf32>
      %get3A_34 = arith.constant 0 : index
      %get3A_35 = arith.constant 0 : index
      %get3A_36 = vector.load %arg6[%get3A_34, %get3A_35] : memref<1x64xf32, #tpu.memory_space<vmem>>, vector<1x64xf32>
      %add3A = vector.broadcast %get3A_36 : vector<1x64xf32> to vector<4096x64xf32>
      %add3A_37 = arith.addf %dot_general3A_33, %add3A : vector<4096x64xf32>
      %get3A_38 = arith.constant 0 : index
      %get3A_39 = arith.constant 0 : index
      %get3A_40 = vector.load %arg19[%get3A_38, %get3A_39] : memref<1x64xf32, #tpu.memory_space<vmem>>, vector<1x64xf32>
      %reduce_sum3A = arith.constant dense<0.000000e+00> : vector<64xf32>
      %reduce_sum3A_41 = vector.multi_reduction <add>, %add3A_37, %reduce_sum3A [0] : vector<4096x64xf32> to vector<64xf32>
      %broadcast_in_dim3A_42 = vector.shape_cast %reduce_sum3A_41 : vector<64xf32> to vector<1x64xf32>
      %add3A_43 = arith.addf %get3A_40, %broadcast_in_dim3A_42 : vector<1x64xf32>
      %swap3A = arith.constant 0 : index
      %swap3A_44 = arith.constant 0 : index
      %swap3A_45 = vector.load %arg19[%swap3A, %swap3A_44] : memref<1x64xf32, #tpu.memory_space<vmem>>, vector<1x64xf32>
      tpu.vector_store %arg19[%swap3A, %swap3A_44], %add3A_43 {strides = array<i32>} : memref<1x64xf32, #tpu.memory_space<vmem>>, vector<1x64xf32>,
      %get3A_46 = arith.constant 0 : index
      %get3A_47 = arith.constant 0 : index
      %get3A_48 = vector.load %arg20[%get3A_46, %get3A_47] : memref<1x64xf32, #tpu.memory_space<vmem>>, vector<1x64xf32>
      %mul3A = arith.mulf %add3A_37, %add3A_37 : vector<4096x64xf32>
      %reduce_sum3A_49 = arith.constant dense<0.000000e+00> : vector<64xf32>
      %reduce_sum3A_50 = vector.multi_reduction <add>, %mul3A, %reduce_sum3A_49 [0] : vector<4096x64xf32> to vector<64xf32>
      %broadcast_in_dim3A_51 = vector.shape_cast %reduce_sum3A_50 : vector<64xf32> to vector<1x64xf32>
      %add3A_52 = arith.addf %get3A_48, %broadcast_in_dim3A_51 : vector<1x64xf32>
      %swap3A_53 = arith.constant 0 : index
      %swap3A_54 = arith.constant 0 : index
      %swap3A_55 = vector.load %arg20[%swap3A_53, %swap3A_54] : memref<1x64xf32, #tpu.memory_space<vmem>>, vector<1x64xf32>
      tpu.vector_store %arg20[%swap3A_53, %swap3A_54], %add3A_52 {strides = array<i32>} : memref<1x64xf32, #tpu.memory_space<vmem>>, vector<1x64xf32>,
    } else {
    }
    %eq3A_6 = arith.constant 16 : i32
    %eq3A_7 = arith.cmpi eq, %arg0, %eq3A_6 : i32
    %convert_element_type3A_8 = arith.extui %eq3A_7 : i1 to i32
    %cond3A_9 = arith.constant 6.553600e+04 : f32
    %cond3A_10 = arith.constant 0 : i32
    %cond3A_11 = arith.cmpi ne, %convert_element_type3A_8, %cond3A_10 : i32
    scf.if %cond3A_11 {
      %get3A = arith.constant 0 : index
      %get3A_23 = arith.constant 0 : index
      %get3A_24 = vector.load %arg19[%get3A, %get3A_23] : memref<1x64xf32, #tpu.memory_space<vmem>>, vector<1x64xf32>
      %div3A = vector.broadcast %cond3A_9 : f32 to vector<1x64xf32>
      %div3A_25 = arith.divf %get3A_24, %div3A : vector<1x64xf32>
      %get3A_26 = arith.constant 0 : index
      %get3A_27 = arith.constant 0 : index
      %get3A_28 = vector.load %arg20[%get3A_26, %get3A_27] : memref<1x64xf32, #tpu.memory_space<vmem>>, vector<1x64xf32>
      %div3A_29 = vector.broadcast %cond3A_9 : f32 to vector<1x64xf32>
      %div3A_30 = arith.divf %get3A_28, %div3A_29 : vector<1x64xf32>
      %mul3A = arith.mulf %div3A_25, %div3A_25 : vector<1x64xf32>
      %sub3A = arith.subf %div3A_30, %mul3A : vector<1x64xf32>
      %get3A_31 = arith.constant 0 : index
      %get3A_32 = arith.constant 0 : index
      %get3A_33 = vector.load %arg7[%get3A_31, %get3A_32] : memref<1x64xf32, #tpu.memory_space<vmem>>, vector<1x64xf32>
      %add3A = arith.constant 9.99999974E-6 : f32
      %add3A_34 = vector.broadcast %add3A : f32 to vector<1x64xf32>
      %add3A_35 = arith.addf %sub3A, %add3A_34 : vector<1x64xf32>
      %rsqrt3A = math.rsqrt %add3A_35 : vector<1x64xf32>
      %mul3A_36 = arith.mulf %get3A_33, %rsqrt3A : vector<1x64xf32>
      %get3A_37 = arith.constant 0 : index
      %get3A_38 = arith.constant 0 : index
      %get3A_39 = vector.load %arg5[%get3A_37, %get3A_38] : memref<16x64xf32, #tpu.memory_space<vmem>>, vector<16x64xf32>
      %mul3A_40 = vector.broadcast %mul3A_36 : vector<1x64xf32> to vector<16x64xf32>
      %mul3A_41 = arith.mulf %get3A_39, %mul3A_40 : vector<16x64xf32>
      %swap3A = arith.constant 0 : index
      %swap3A_42 = arith.constant 0 : index
      %swap3A_43 = vector.load %arg15[%swap3A, %swap3A_42] : memref<16x64xf32, #tpu.memory_space<vmem>>, vector<16x64xf32>
      tpu.vector_store %arg15[%swap3A, %swap3A_42], %mul3A_41 {strides = array<i32>} : memref<16x64xf32, #tpu.memory_space<vmem>>, vector<16x64xf32>,
      %get3A_44 = arith.constant 0 : index
      %get3A_45 = arith.constant 0 : index
      %get3A_46 = vector.load %arg6[%get3A_44, %get3A_45] : memref<1x64xf32, #tpu.memory_space<vmem>>, vector<1x64xf32>
      %sub3A_47 = arith.subf %get3A_46, %div3A_25 : vector<1x64xf32>
      %mul3A_48 = arith.mulf %sub3A_47, %mul3A_36 : vector<1x64xf32>
      %get3A_49 = arith.constant 0 : index
      %get3A_50 = arith.constant 0 : index
      %get3A_51 = vector.load %arg8[%get3A_49, %get3A_50] : memref<1x64xf32, #tpu.memory_space<vmem>>, vector<1x64xf32>
      %add3A_52 = arith.addf %mul3A_48, %get3A_51 : vector<1x64xf32>
      %swap3A_53 = arith.constant 0 : index
      %swap3A_54 = arith.constant 0 : index
      %swap3A_55 = vector.load %arg16[%swap3A_53, %swap3A_54] : memref<1x64xf32, #tpu.memory_space<vmem>>, vector<1x64xf32>
      tpu.vector_store %arg16[%swap3A_53, %swap3A_54], %add3A_52 {strides = array<i32>} : memref<1x64xf32, #tpu.memory_space<vmem>>, vector<1x64xf32>,
    } else {
    }
    %gt3A = arith.constant 16 : i32
    %gt3A_12 = arith.cmpi sgt, %arg0, %gt3A : i32
    %le3A = arith.constant 32 : i32
    %le3A_13 = arith.cmpi sle, %arg0, %le3A : i32
    %and3A = arith.andi %gt3A_12, %le3A_13 : i1
    %convert_element_type3A_14 = arith.extui %and3A : i1 to i32
    %cond3A_15 = arith.constant 0 : i32
    %cond3A_16 = arith.cmpi ne, %convert_element_type3A_14, %cond3A_15 : i32
    scf.if %cond3A_16 {
      %get3A = arith.constant 0 : index
      %get3A_23 = arith.constant 0 : index
      %get3A_24 = vector.load %arg1[%get3A, %get3A_23] : memref<4096x128xf32, #tpu.memory_space<vmem>>, vector<4096x128xf32>
      %slice3A = vector.extract_strided_slice %get3A_24 {offsets = [0, 0], sizes = [4096, 16], strides = [1, 1]} : vector<4096x128xf32> to vector<4096x16xf32>
      %reshape3A = vector.shape_cast %slice3A : vector<4096x16xf32> to vector<256x16x16xf32>
      %get3A_25 = arith.constant 0 : index
      %get3A_26 = arith.constant 0 : index
      %get3A_27 = vector.load %arg2[%get3A_25, %get3A_26] : memref<256x16xf32, #tpu.memory_space<vmem>>, vector<256x16xf32>
      %broadcast_in_dim3A = vector.shape_cast %get3A_27 : vector<256x16xf32> to vector<256x1x16xf32>
      %sub3A = vector.broadcast %broadcast_in_dim3A : vector<256x1x16xf32> to vector<256x16x16xf32>
      %sub3A_28 = arith.subf %sub3A, %reshape3A : vector<256x16x16xf32>
      %reshape3A_29 = vector.shape_cast %sub3A_28 : vector<256x16x16xf32> to vector<4096x16xf32>
      %get3A_30 = arith.constant 0 : index
      %get3A_31 = arith.constant 0 : index
      %get3A_32 = vector.load %arg15[%get3A_30, %get3A_31] : memref<16x64xf32, #tpu.memory_space<vmem>>, vector<16x64xf32>
      %dot_general3A = arith.constant dense<0.000000e+00> : vector<4096x64xf32>
      %dot_general3A_33 = tpu.matmul %reshape3A_29, %get3A_32, %dot_general3A {dimension_numbers = #tpu.dot_dimension_numbers<[1], [0], [0], [1], [0, 0, 1, 1], [], []>, precision = #tpu.contract_precision<fp32>, transpose_lhs_hint = false} : vector<4096x16xf32>, vector<16x64xf32>, vector<4096x64xf32> -> vector<4096x64xf32>
      %get3A_34 = arith.constant 0 : index
      %get3A_35 = arith.constant 0 : index
      %get3A_36 = vector.load %arg16[%get3A_34, %get3A_35] : memref<1x64xf32, #tpu.memory_space<vmem>>, vector<1x64xf32>
      %add3A = vector.broadcast %get3A_36 : vector<1x64xf32> to vector<4096x64xf32>
      %add3A_37 = arith.addf %dot_general3A_33, %add3A : vector<4096x64xf32>
      %max3A = arith.constant 0.000000e+00 : f32
      %max3A_38 = vector.broadcast %max3A : f32 to vector<4096x64xf32>
      %max3A_39 = arith.maximumf %add3A_37, %max3A_38 : vector<4096x64xf32>
      %get3A_40 = arith.constant 0 : index
      %get3A_41 = arith.constant 0 : index
      %get3A_42 = vector.load %arg9[%get3A_40, %get3A_41] : memref<256x64xf32, #tpu.memory_space<vmem>>, vector<256x64xf32>
      %dot_general3A_43 = arith.constant dense<0.000000e+00> : vector<4096x256xf32>
      %dot_general3A_44 = tpu.matmul %max3A_39, %get3A_42, %dot_general3A_43 {dimension_numbers = #tpu.dot_dimension_numbers<[1], [1], [0], [0], [0, 0, 1, 0], [], []>, transpose_lhs_hint = false} : vector<4096x64xf32>, vector<256x64xf32>, vector<4096x256xf32> -> vector<4096x256xf32>
      %get3A_45 = arith.constant 0 : index
      %get3A_46 = arith.constant 0 : index
      %get3A_47 = vector.load %arg10[%get3A_45, %get3A_46] : memref<1x256xf32, #tpu.memory_space<vmem>>, vector<1x256xf32>
      %add3A_48 = vector.broadcast %get3A_47 : vector<1x256xf32> to vector<4096x256xf32>
      %add3A_49 = arith.addf %dot_general3A_44, %add3A_48 : vector<4096x256xf32>
      %get3A_50 = arith.constant 0 : index
      %get3A_51 = arith.constant 0 : index
      %get3A_52 = vector.load %arg3[%get3A_50, %get3A_51] : memref<256x256xf32, #tpu.memory_space<vmem>>, vector<256x256xf32>
      %broadcast_in_dim3A_53 = vector.shape_cast %get3A_52 : vector<256x256xf32> to vector<256x1x256xf32>
      %get3A_54 = arith.constant 0 : index
      %get3A_55 = arith.constant 0 : index
      %get3A_56 = vector.load %arg4[%get3A_54, %get3A_55] : memref<4096x256xf32, #tpu.memory_space<vmem>>, vector<4096x256xf32>
      %reshape3A_57 = vector.shape_cast %get3A_56 : vector<4096x256xf32> to vector<256x16x256xf32>
      %sub3A_58 = vector.broadcast %broadcast_in_dim3A_53 : vector<256x1x256xf32> to vector<256x16x256xf32>
      %sub3A_59 = arith.subf %sub3A_58, %reshape3A_57 : vector<256x16x256xf32>
      %reshape3A_60 = vector.shape_cast %sub3A_59 : vector<256x16x256xf32> to vector<4096x256xf32>
      %add3A_61 = arith.addf %reshape3A_60, %add3A_49 : vector<4096x256xf32>
      %get3A_62 = arith.constant 0 : index
      %get3A_63 = arith.constant 0 : index
      %get3A_64 = vector.load %arg21[%get3A_62, %get3A_63] : memref<1x256xf32, #tpu.memory_space<vmem>>, vector<1x256xf32>
      %reduce_sum3A = arith.constant dense<0.000000e+00> : vector<256xf32>
      %reduce_sum3A_65 = vector.multi_reduction <add>, %add3A_61, %reduce_sum3A [0] : vector<4096x256xf32> to vector<256xf32>
      %broadcast_in_dim3A_66 = vector.shape_cast %reduce_sum3A_65 : vector<256xf32> to vector<1x256xf32>
      %add3A_67 = arith.addf %get3A_64, %broadcast_in_dim3A_66 : vector<1x256xf32>
      %swap3A = arith.constant 0 : index
      %swap3A_68 = arith.constant 0 : index
      %swap3A_69 = vector.load %arg21[%swap3A, %swap3A_68] : memref<1x256xf32, #tpu.memory_space<vmem>>, vector<1x256xf32>
      tpu.vector_store %arg21[%swap3A, %swap3A_68], %add3A_67 {strides = array<i32>} : memref<1x256xf32, #tpu.memory_space<vmem>>, vector<1x256xf32>,
      %get3A_70 = arith.constant 0 : index
      %get3A_71 = arith.constant 0 : index
      %get3A_72 = vector.load %arg22[%get3A_70, %get3A_71] : memref<256x256xf32, #tpu.memory_space<vmem>>, vector<256x256xf32>
      %dot_general3A_73 = arith.constant dense<0.000000e+00> : vector<256x256xf32>
      %dot_general3A_74 = tpu.matmul %add3A_61, %add3A_61, %dot_general3A_73 {dimension_numbers = #tpu.dot_dimension_numbers<[0], [0], [1], [1], [0, 1, 1, 1], [], []>, transpose_lhs_hint = false} : vector<4096x256xf32>, vector<4096x256xf32>, vector<256x256xf32> -> vector<256x256xf32>
      %add3A_75 = arith.addf %get3A_72, %dot_general3A_74 : vector<256x256xf32>
      %swap3A_76 = arith.constant 0 : index
      %swap3A_77 = arith.constant 0 : index
      %swap3A_78 = vector.load %arg22[%swap3A_76, %swap3A_77] : memref<256x256xf32, #tpu.memory_space<vmem>>, vector<256x256xf32>
      tpu.vector_store %arg22[%swap3A_76, %swap3A_77], %add3A_75 {strides = array<i32>} : memref<256x256xf32, #tpu.memory_space<vmem>>, vector<256x256xf32>,
    } else {
    }
    %eq3A_17 = arith.constant 33 : i32
    %eq3A_18 = arith.cmpi eq, %arg0, %eq3A_17 : i32
    %convert_element_type3A_19 = arith.extui %eq3A_18 : i1 to i32
    %cond3A_20 = arith.constant 6.553600e+04 : f32
    %cond3A_21 = arith.constant 0 : i32
    %cond3A_22 = arith.cmpi ne, %convert_element_type3A_19, %cond3A_21 : i32
    scf.if %cond3A_22 {
      %get3A = arith.constant 0 : index
      %get3A_23 = arith.constant 0 : index
      %get3A_24 = vector.load %arg21[%get3A, %get3A_23] : memref<1x256xf32, #tpu.memory_space<vmem>>, vector<1x256xf32>
      %div3A = vector.broadcast %cond3A_20 : f32 to vector<1x256xf32>
      %div3A_25 = arith.divf %get3A_24, %div3A : vector<1x256xf32>
      %get3A_26 = arith.constant 0 : index
      %get3A_27 = arith.constant 0 : index
      %get3A_28 = vector.load %arg22[%get3A_26, %get3A_27] : memref<256x256xf32, #tpu.memory_space<vmem>>, vector<256x256xf32>
      %div3A_29 = vector.broadcast %cond3A_20 : f32 to vector<256x256xf32>
      %div3A_30 = arith.divf %get3A_28, %div3A_29 : vector<256x256xf32>
      %dot_general3A = arith.constant dense<0.000000e+00> : vector<256x256xf32>
      %dot_general3A_31 = tpu.matmul %div3A_25, %div3A_25, %dot_general3A {dimension_numbers = #tpu.dot_dimension_numbers<[0], [0], [1], [1], [0, 1, 1, 1], [], []>, precision = #tpu.contract_precision<fp32>, transpose_lhs_hint = false} : vector<1x256xf32>, vector<1x256xf32>, vector<256x256xf32> -> vector<256x256xf32>
      %sub3A = arith.subf %div3A_30, %dot_general3A_31 : vector<256x256xf32>
      %get3A_32 = arith.constant 0 : index
      %get3A_33 = arith.constant 0 : index
      %get3A_34 = vector.load %arg11[%get3A_32, %get3A_33] : memref<256x1024xf32, #tpu.memory_space<vmem>>, vector<256x1024xf32>
      %dot_general3A_35 = arith.constant dense<0.000000e+00> : vector<256x1024xf32>
      %dot_general3A_36 = tpu.matmul %sub3A, %get3A_34, %dot_general3A_35 {dimension_numbers = #tpu.dot_dimension_numbers<[1], [0], [0], [1], [0, 0, 1, 1], [], []>, precision = #tpu.contract_precision<fp32>, transpose_lhs_hint = false} : vector<256x256xf32>, vector<256x1024xf32>, vector<256x1024xf32> -> vector<256x1024xf32>
      %get3A_37 = arith.constant 0 : index
      %get3A_38 = arith.constant 0 : index
      %get3A_39 = vector.load %arg11[%get3A_37, %get3A_38] : memref<256x1024xf32, #tpu.memory_space<vmem>>, vector<256x1024xf32>
      %mul3A = arith.mulf %dot_general3A_36, %get3A_39 : vector<256x1024xf32>
      %reduce_sum3A = arith.constant dense<0.000000e+00> : vector<1024xf32>
      %reduce_sum3A_40 = vector.multi_reduction <add>, %mul3A, %reduce_sum3A [0] : vector<256x1024xf32> to vector<1024xf32>
      %broadcast_in_dim3A = vector.shape_cast %reduce_sum3A_40 : vector<1024xf32> to vector<1x1024xf32>
      %get3A_41 = arith.constant 0 : index
      %get3A_42 = arith.constant 0 : index
      %get3A_43 = vector.load %arg11[%get3A_41, %get3A_42] : memref<256x1024xf32, #tpu.memory_space<vmem>>, vector<256x1024xf32>
      %dot_general3A_44 = arith.constant dense<0.000000e+00> : vector<1x1024xf32>
      %dot_general3A_45 = tpu.matmul %div3A_25, %get3A_43, %dot_general3A_44 {dimension_numbers = #tpu.dot_dimension_numbers<[1], [0], [0], [1], [0, 0, 1, 1], [], []>, precision = #tpu.contract_precision<fp32>, transpose_lhs_hint = false} : vector<1x256xf32>, vector<256x1024xf32>, vector<1x1024xf32> -> vector<1x1024xf32>
      %get3A_46 = arith.constant 0 : index
      %get3A_47 = arith.constant 0 : index
      %get3A_48 = vector.load %arg12[%get3A_46, %get3A_47] : memref<1x1024xf32, #tpu.memory_space<vmem>>, vector<1x1024xf32>
      %add3A = arith.addf %dot_general3A_45, %get3A_48 : vector<1x1024xf32>
      %get3A_49 = arith.constant 0 : index
      %get3A_50 = arith.constant 0 : index
      %get3A_51 = vector.load %arg13[%get3A_49, %get3A_50] : memref<1x1024xf32, #tpu.memory_space<vmem>>, vector<1x1024xf32>
      %add3A_52 = arith.constant 9.99999974E-6 : f32
      %add3A_53 = vector.broadcast %add3A_52 : f32 to vector<1x1024xf32>
      %add3A_54 = arith.addf %broadcast_in_dim3A, %add3A_53 : vector<1x1024xf32>
      %rsqrt3A = math.rsqrt %add3A_54 : vector<1x1024xf32>
      %mul3A_55 = arith.mulf %get3A_51, %rsqrt3A : vector<1x1024xf32>
      %get3A_56 = arith.constant 0 : index
      %get3A_57 = arith.constant 0 : index
      %get3A_58 = vector.load %arg11[%get3A_56, %get3A_57] : memref<256x1024xf32, #tpu.memory_space<vmem>>, vector<256x1024xf32>
      %mul3A_59 = vector.broadcast %mul3A_55 : vector<1x1024xf32> to vector<256x1024xf32>
      %mul3A_60 = arith.mulf %get3A_58, %mul3A_59 : vector<256x1024xf32>
      %swap3A = arith.constant 0 : index
      %swap3A_61 = arith.constant 0 : index
      %swap3A_62 = vector.load %arg17[%swap3A, %swap3A_61] : memref<256x1024xf32, #tpu.memory_space<vmem>>, vector<256x1024xf32>
      tpu.vector_store %arg17[%swap3A, %swap3A_61], %mul3A_60 {strides = array<i32>} : memref<256x1024xf32, #tpu.memory_space<vmem>>, vector<256x1024xf32>,
      %get3A_63 = arith.constant 0 : index
      %get3A_64 = arith.constant 0 : index
      %get3A_65 = vector.load %arg12[%get3A_63, %get3A_64] : memref<1x1024xf32, #tpu.memory_space<vmem>>, vector<1x1024xf32>
      %sub3A_66 = arith.subf %get3A_65, %add3A : vector<1x1024xf32>
      %mul3A_67 = arith.mulf %sub3A_66, %mul3A_55 : vector<1x1024xf32>
      %get3A_68 = arith.constant 0 : index
      %get3A_69 = arith.constant 0 : index
      %get3A_70 = vector.load %arg14[%get3A_68, %get3A_69] : memref<1x1024xf32, #tpu.memory_space<vmem>>, vector<1x1024xf32>
      %add3A_71 = arith.addf %mul3A_67, %get3A_70 : vector<1x1024xf32>
      %swap3A_72 = arith.constant 0 : index
      %swap3A_73 = arith.constant 0 : index
      %swap3A_74 = vector.load %arg18[%swap3A_72, %swap3A_73] : memref<1x1024xf32, #tpu.memory_space<vmem>>, vector<1x1024xf32>
      tpu.vector_store %arg18[%swap3A_72, %swap3A_73], %add3A_71 {strides = array<i32>} : memref<1x1024xf32, #tpu.memory_space<vmem>>, vector<1x1024xf32>,
    } else {
    }
    return
  }
  func.func @transform_0(%arg0: i32) -> (i32, i32) {
    %lt3A = arith.constant 16 : i32
    %lt3A_0 = arith.cmpi slt, %arg0, %lt3A : i32
    %sub3A = arith.constant 16 : i32
    %sub3A_1 = arith.subi %arg0, %sub3A : i32
    %sub3A_2 = arith.constant 1 : i32
    %sub3A_3 = arith.subi %sub3A_1, %sub3A_2 : i32
    %jit3A = arith.constant 0 : i32
    %jit3A_4 = arith.constant 15 : i32
    %max3A = arith.maxsi %jit3A, %sub3A_3 : i32
    %min3A = arith.minsi %jit3A_4, %max3A : i32
    %select_n3A = arith.select %lt3A_0, %arg0, %min3A : i32
    %c0_i32 = arith.constant 0 : i32
    %c0_i32_5 = arith.constant 0 : i32
    return %select_n3A, %c0_i32 : i32, i32
  }
  func.func @transform_1(%arg0: i32) -> (i32, i32) {
    %lt3A = arith.constant 16 : i32
    %lt3A_0 = arith.cmpi slt, %arg0, %lt3A : i32
    %sub3A = arith.constant 16 : i32
    %sub3A_1 = arith.subi %arg0, %sub3A : i32
    %sub3A_2 = arith.constant 1 : i32
    %sub3A_3 = arith.subi %sub3A_1, %sub3A_2 : i32
    %jit3A = arith.constant 0 : i32
    %jit3A_4 = arith.constant 15 : i32
    %max3A = arith.maxsi %jit3A, %sub3A_3 : i32
    %min3A = arith.minsi %jit3A_4, %max3A : i32
    %select_n3A = arith.select %lt3A_0, %arg0, %min3A : i32
    %c0_i32 = arith.constant 0 : i32
    %c0_i32_5 = arith.constant 0 : i32
    return %select_n3A, %c0_i32 : i32, i32
  }
  func.func @transform_2(%arg0: i32) -> (i32, i32) {
    %sub3A = arith.constant 16 : i32
    %sub3A_0 = arith.subi %arg0, %sub3A : i32
    %sub3A_1 = arith.constant 1 : i32
    %sub3A_2 = arith.subi %sub3A_0, %sub3A_1 : i32
    %jit3A = arith.constant 0 : i32
    %jit3A_3 = arith.constant 15 : i32
    %max3A = arith.maxsi %jit3A, %sub3A_2 : i32
    %min3A = arith.minsi %jit3A_3, %max3A : i32
    %c0_i32 = arith.constant 0 : i32
    %c0_i32_4 = arith.constant 0 : i32
    return %min3A, %c0_i32 : i32, i32
  }
  func.func @transform_3(%arg0: i32) -> (i32, i32) {
    %sub3A = arith.constant 16 : i32
    %sub3A_0 = arith.subi %arg0, %sub3A : i32
    %sub3A_1 = arith.constant 1 : i32
    %sub3A_2 = arith.subi %sub3A_0, %sub3A_1 : i32
    %jit3A = arith.constant 0 : i32
    %jit3A_3 = arith.constant 15 : i32
    %max3A = arith.maxsi %jit3A, %sub3A_2 : i32
    %min3A = arith.minsi %jit3A_3, %max3A : i32
    %c0_i32 = arith.constant 0 : i32
    %c0_i32_4 = arith.constant 0 : i32
    return %min3A, %c0_i32 : i32, i32
  }
  func.func @transform_4(%arg0: i32) -> (i32, i32) {
    %c0_i32 = arith.constant 0 : i32
    %c0_i32_0 = arith.constant 0 : i32
    %c0_i32_1 = arith.constant 0 : i32
    return %c0_i32, %c0_i32_0 : i32, i32
  }
  func.func @transform_5(%arg0: i32) -> (i32, i32) {
    %c0_i32 = arith.constant 0 : i32
    %c0_i32_0 = arith.constant 0 : i32
    %c0_i32_1 = arith.constant 0 : i32
    return %c0_i32, %c0_i32_0 : i32, i32
  }
  func.func @transform_6(%arg0: i32) -> (i32, i32) {
    %c0_i32 = arith.constant 0 : i32
    %c0_i32_0 = arith.constant 0 : i32
    %c0_i32_1 = arith.constant 0 : i32
    return %c0_i32, %c0_i32_0 : i32, i32
  }
  func.func @transform_7(%arg0: i32) -> (i32, i32) {
    %c0_i32 = arith.constant 0 : i32
    %c0_i32_0 = arith.constant 0 : i32
    %c0_i32_1 = arith.constant 0 : i32
    return %c0_i32, %c0_i32_0 : i32, i32
  }
  func.func @transform_8(%arg0: i32) -> (i32, i32) {
    %c0_i32 = arith.constant 0 : i32
    %c0_i32_0 = arith.constant 0 : i32
    %c0_i32_1 = arith.constant 0 : i32
    return %c0_i32, %c0_i32_0 : i32, i32
  }
  func.func @transform_9(%arg0: i32) -> (i32, i32) {
    %c0_i32 = arith.constant 0 : i32
    %c0_i32_0 = arith.constant 0 : i32
    %c0_i32_1 = arith.constant 0 : i32
    return %c0_i32, %c0_i32_0 : i32, i32
  }
  func.func @transform_10(%arg0: i32) -> (i32, i32) {
    %c0_i32 = arith.constant 0 : i32
    %c0_i32_0 = arith.constant 0 : i32
    %c0_i32_1 = arith.constant 0 : i32
    return %c0_i32, %c0_i32_0 : i32, i32
  }
  func.func @transform_11(%arg0: i32) -> (i32, i32) {
    %c0_i32 = arith.constant 0 : i32
    %c0_i32_0 = arith.constant 0 : i32
    %c0_i32_1 = arith.constant 0 : i32
    return %c0_i32, %c0_i32_0 : i32, i32
  }
  func.func @transform_12(%arg0: i32) -> (i32, i32) {
    %c0_i32 = arith.constant 0 : i32
    %c0_i32_0 = arith.constant 0 : i32
    %c0_i32_1 = arith.constant 0 : i32
    return %c0_i32, %c0_i32_0 : i32, i32
  }
  func.func @transform_13(%arg0: i32) -> (i32, i32) {
    %c0_i32 = arith.constant 0 : i32
    %c0_i32_0 = arith.constant 0 : i32
    %c0_i32_1 = arith.constant 0 : i32
    return %c0_i32, %c0_i32_0 : i32, i32
  }
  func.func @transform_14(%arg0: i32) -> (i32, i32) {
    %c0_i32 = arith.constant 0 : i32
    %c0_i32_0 = arith.constant 0 : i32
    %c0_i32_1 = arith.constant 0 : i32
    return %c0_i32, %c0_i32_0 : i32, i32
  }
  func.func @transform_15(%arg0: i32) -> (i32, i32) {
    %c0_i32 = arith.constant 0 : i32
    %c0_i32_0 = arith.constant 0 : i32
    %c0_i32_1 = arith.constant 0 : i32
    return %c0_i32, %c0_i32_0 : i32, i32
  }
  func.func @transform_16(%arg0: i32) -> (i32, i32) {
    %c0_i32 = arith.constant 0 : i32
    %c0_i32_0 = arith.constant 0 : i32
    %c0_i32_1 = arith.constant 0 : i32
    return %c0_i32, %c0_i32_0 : i32, i32
  }
  func.func @transform_17(%arg0: i32) -> (i32, i32) {
    %c0_i32 = arith.constant 0 : i32
    %c0_i32_0 = arith.constant 0 : i32
    %c0_i32_1 = arith.constant 0 : i32
    return %c0_i32, %c0_i32_0 : i32, i32
  }
}

module attributes {stable_mosaic.version = 14 : i64} {
  func.func @_attn_body(%arg0: i32, %arg1: memref<2048x128xf32, #tpu.memory_space<vmem>>, %arg2: memref<128x16xf32, #tpu.memory_space<vmem>>, %arg3: memref<128x256xf32, #tpu.memory_space<vmem>>, %arg4: memref<128x256xf32, #tpu.memory_space<vmem>>, %arg5: memref<2048x256xf32, #tpu.memory_space<vmem>>, %arg6: memref<16x64xf32, #tpu.memory_space<vmem>>, %arg7: memref<1x64xf32, #tpu.memory_space<vmem>>, %arg8: memref<256x64xf32, #tpu.memory_space<vmem>>, %arg9: memref<1x256xf32, #tpu.memory_space<vmem>>, %arg10: memref<256x1024xf32, #tpu.memory_space<vmem>>, %arg11: memref<1x1024xf32, #tpu.memory_space<vmem>>, %arg12: memref<256x1024xf32, #tpu.memory_space<vmem>>, %arg13: memref<1x256xf32, #tpu.memory_space<vmem>>, %arg14: memref<256x256xf32, #tpu.memory_space<vmem>>, %arg15: memref<1x256xf32, #tpu.memory_space<vmem>>, %arg16: memref<128x256xf32, #tpu.memory_space<vmem>>) attributes {dimension_semantics = [#tpu.dimension_semantics<arbitrary>], iteration_bounds = array<i64: 32>, scalar_prefetch = 0 : i64, scratch_operands = 0 : i64, tpu.core_type = #tpu.core_type<tc>, window_params = [{transform_indices = @transform_0, window_bounds = array<i64: 2048, 128>}, {transform_indices = @transform_1, window_bounds = array<i64: 128, 16>}, {transform_indices = @transform_2, window_bounds = array<i64: 128, 256>}, {transform_indices = @transform_3, window_bounds = array<i64: 128, 256>}, {transform_indices = @transform_4, window_bounds = array<i64: 2048, 256>}, {pipeline_mode = #tpu.pipeline_mode<synchronous>, transform_indices = @transform_5, window_bounds = array<i64: 16, 64>}, {pipeline_mode = #tpu.pipeline_mode<synchronous>, transform_indices = @transform_6, window_bounds = array<i64: 1, 64>}, {pipeline_mode = #tpu.pipeline_mode<synchronous>, transform_indices = @transform_7, window_bounds = array<i64: 256, 64>}, {pipeline_mode = #tpu.pipeline_mode<synchronous>, transform_indices = @transform_8, window_bounds = array<i64: 1, 256>}, {pipeline_mode = #tpu.pipeline_mode<synchronous>, transform_indices = @transform_9, window_bounds = array<i64: 256, 1024>}, {pipeline_mode = #tpu.pipeline_mode<synchronous>, transform_indices = @transform_10, window_bounds = array<i64: 1, 1024>}, {pipeline_mode = #tpu.pipeline_mode<synchronous>, transform_indices = @transform_11, window_bounds = array<i64: 256, 1024>}, {pipeline_mode = #tpu.pipeline_mode<synchronous>, transform_indices = @transform_12, window_bounds = array<i64: 1, 256>}, {pipeline_mode = #tpu.pipeline_mode<synchronous>, transform_indices = @transform_13, window_bounds = array<i64: 256, 256>}, {pipeline_mode = #tpu.pipeline_mode<synchronous>, transform_indices = @transform_14, window_bounds = array<i64: 1, 256>}, {transform_indices = @transform_15, window_bounds = array<i64: 128, 256>}]} {
    %get3A = arith.constant 0 : index
    %get3A_0 = arith.constant 0 : index
    %get3A_1 = vector.load %arg1[%get3A, %get3A_0] : memref<2048x128xf32, #tpu.memory_space<vmem>>, vector<2048x128xf32>
    %slice3A = vector.extract_strided_slice %get3A_1 {offsets = [0, 0], sizes = [2048, 16], strides = [1, 1]} : vector<2048x128xf32> to vector<2048x16xf32>
    %reshape3A = vector.shape_cast %slice3A : vector<2048x16xf32> to vector<128x16x16xf32>
    %get3A_2 = arith.constant 0 : index
    %get3A_3 = arith.constant 0 : index
    %get3A_4 = vector.load %arg2[%get3A_2, %get3A_3] : memref<128x16xf32, #tpu.memory_space<vmem>>, vector<128x16xf32>
    %broadcast_in_dim3A = vector.shape_cast %get3A_4 : vector<128x16xf32> to vector<128x1x16xf32>
    %sub3A = vector.broadcast %broadcast_in_dim3A : vector<128x1x16xf32> to vector<128x16x16xf32>
    %sub3A_5 = arith.subf %sub3A, %reshape3A : vector<128x16x16xf32>
    %reshape3A_6 = vector.shape_cast %sub3A_5 : vector<128x16x16xf32> to vector<2048x16xf32>
    %get3A_7 = arith.constant 0 : index
    %get3A_8 = arith.constant 0 : index
    %get3A_9 = vector.load %arg6[%get3A_7, %get3A_8] : memref<16x64xf32, #tpu.memory_space<vmem>>, vector<16x64xf32>
    %dot_general3A = arith.constant dense<0.000000e+00> : vector<2048x64xf32>
    %dot_general3A_10 = tpu.matmul %reshape3A_6, %get3A_9, %dot_general3A {dimension_numbers = #tpu.dot_dimension_numbers<[1], [0], [0], [1], [0, 0, 1, 1], [], []>, precision = #tpu.contract_precision<fp32>, transpose_lhs_hint = false} : vector<2048x16xf32>, vector<16x64xf32>, vector<2048x64xf32> -> vector<2048x64xf32>
    %get3A_11 = arith.constant 0 : index
    %get3A_12 = arith.constant 0 : index
    %get3A_13 = vector.load %arg7[%get3A_11, %get3A_12] : memref<1x64xf32, #tpu.memory_space<vmem>>, vector<1x64xf32>
    %add3A = vector.broadcast %get3A_13 : vector<1x64xf32> to vector<2048x64xf32>
    %add3A_14 = arith.addf %dot_general3A_10, %add3A : vector<2048x64xf32>
    %max3A = arith.constant 0.000000e+00 : f32
    %max3A_15 = vector.broadcast %max3A : f32 to vector<2048x64xf32>
    %max3A_16 = arith.maximumf %add3A_14, %max3A_15 : vector<2048x64xf32>
    %get3A_17 = arith.constant 0 : index
    %get3A_18 = arith.constant 0 : index
    %get3A_19 = vector.load %arg8[%get3A_17, %get3A_18] : memref<256x64xf32, #tpu.memory_space<vmem>>, vector<256x64xf32>
    %dot_general3A_20 = arith.constant dense<0.000000e+00> : vector<2048x256xf32>
    %dot_general3A_21 = tpu.matmul %max3A_16, %get3A_19, %dot_general3A_20 {dimension_numbers = #tpu.dot_dimension_numbers<[1], [1], [0], [0], [0, 0, 1, 0], [], []>, transpose_lhs_hint = false} : vector<2048x64xf32>, vector<256x64xf32>, vector<2048x256xf32> -> vector<2048x256xf32>
    %get3A_22 = arith.constant 0 : index
    %get3A_23 = arith.constant 0 : index
    %get3A_24 = vector.load %arg9[%get3A_22, %get3A_23] : memref<1x256xf32, #tpu.memory_space<vmem>>, vector<1x256xf32>
    %add3A_25 = vector.broadcast %get3A_24 : vector<1x256xf32> to vector<2048x256xf32>
    %add3A_26 = arith.addf %dot_general3A_21, %add3A_25 : vector<2048x256xf32>
    %get3A_27 = arith.constant 0 : index
    %get3A_28 = arith.constant 0 : index
    %get3A_29 = vector.load %arg3[%get3A_27, %get3A_28] : memref<128x256xf32, #tpu.memory_space<vmem>>, vector<128x256xf32>
    %broadcast_in_dim3A_30 = vector.shape_cast %get3A_29 : vector<128x256xf32> to vector<128x1x256xf32>
    %get3A_31 = arith.constant 0 : index
    %get3A_32 = arith.constant 0 : index
    %get3A_33 = vector.load %arg5[%get3A_31, %get3A_32] : memref<2048x256xf32, #tpu.memory_space<vmem>>, vector<2048x256xf32>
    %reshape3A_34 = vector.shape_cast %get3A_33 : vector<2048x256xf32> to vector<128x16x256xf32>
    %sub3A_35 = vector.broadcast %broadcast_in_dim3A_30 : vector<128x1x256xf32> to vector<128x16x256xf32>
    %sub3A_36 = arith.subf %sub3A_35, %reshape3A_34 : vector<128x16x256xf32>
    %reshape3A_37 = vector.shape_cast %sub3A_36 : vector<128x16x256xf32> to vector<2048x256xf32>
    %add3A_38 = arith.addf %reshape3A_37, %add3A_26 : vector<2048x256xf32>
    %get3A_39 = arith.constant 0 : index
    %get3A_40 = arith.constant 0 : index
    %get3A_41 = vector.load %arg10[%get3A_39, %get3A_40] : memref<256x1024xf32, #tpu.memory_space<vmem>>, vector<256x1024xf32>
    %dot_general3A_42 = arith.constant dense<0.000000e+00> : vector<2048x1024xf32>
    %dot_general3A_43 = tpu.matmul %add3A_38, %get3A_41, %dot_general3A_42 {dimension_numbers = #tpu.dot_dimension_numbers<[1], [0], [0], [1], [0, 0, 1, 1], [], []>, transpose_lhs_hint = false} : vector<2048x256xf32>, vector<256x1024xf32>, vector<2048x1024xf32> -> vector<2048x1024xf32>
    %get3A_44 = arith.constant 0 : index
    %get3A_45 = arith.constant 0 : index
    %get3A_46 = vector.load %arg11[%get3A_44, %get3A_45] : memref<1x1024xf32, #tpu.memory_space<vmem>>, vector<1x1024xf32>
    %add3A_47 = vector.broadcast %get3A_46 : vector<1x1024xf32> to vector<2048x1024xf32>
    %add3A_48 = arith.addf %dot_general3A_43, %add3A_47 : vector<2048x1024xf32>
    %max3A_49 = arith.constant 0.000000e+00 : f32
    %max3A_50 = vector.broadcast %max3A_49 : f32 to vector<2048x1024xf32>
    %max3A_51 = arith.maximumf %add3A_48, %max3A_50 : vector<2048x1024xf32>
    %get3A_52 = arith.constant 0 : index
    %get3A_53 = arith.constant 0 : index
    %get3A_54 = vector.load %arg12[%get3A_52, %get3A_53] : memref<256x1024xf32, #tpu.memory_space<vmem>>, vector<256x1024xf32>
    %dot_general3A_55 = arith.constant dense<0.000000e+00> : vector<2048x256xf32>
    %dot_general3A_56 = tpu.matmul %max3A_51, %get3A_54, %dot_general3A_55 {dimension_numbers = #tpu.dot_dimension_numbers<[1], [1], [0], [0], [0, 0, 1, 0], [], []>, transpose_lhs_hint = false} : vector<2048x1024xf32>, vector<256x1024xf32>, vector<2048x256xf32> -> vector<2048x256xf32>
    %get3A_57 = arith.constant 0 : index
    %get3A_58 = arith.constant 0 : index
    %get3A_59 = vector.load %arg13[%get3A_57, %get3A_58] : memref<1x256xf32, #tpu.memory_space<vmem>>, vector<1x256xf32>
    %add3A_60 = vector.broadcast %get3A_59 : vector<1x256xf32> to vector<2048x256xf32>
    %add3A_61 = arith.addf %dot_general3A_56, %add3A_60 : vector<2048x256xf32>
    %reshape3A_62 = vector.shape_cast %add3A_61 : vector<2048x256xf32> to vector<128x16x256xf32>
    %reduce_max3A = arith.constant dense<0xFF800000> : vector<128x256xf32>
    %reduce_max3A_63 = vector.multi_reduction <maximumf>, %reshape3A_62, %reduce_max3A [1] : vector<128x16x256xf32> to vector<128x256xf32>
    %broadcast_in_dim3A_64 = vector.shape_cast %reduce_max3A_63 : vector<128x256xf32> to vector<128x1x256xf32>
    %sub3A_65 = vector.broadcast %broadcast_in_dim3A_64 : vector<128x1x256xf32> to vector<128x16x256xf32>
    %sub3A_66 = arith.subf %reshape3A_62, %sub3A_65 : vector<128x16x256xf32>
    %exp3A = math.exp %sub3A_66 : vector<128x16x256xf32>
    %reduce_sum3A = arith.constant dense<0.000000e+00> : vector<128x256xf32>
    %reduce_sum3A_67 = vector.multi_reduction <add>, %exp3A, %reduce_sum3A [1] : vector<128x16x256xf32> to vector<128x256xf32>
    %broadcast_in_dim3A_68 = vector.shape_cast %reduce_sum3A_67 : vector<128x256xf32> to vector<128x1x256xf32>
    %div3A = vector.broadcast %broadcast_in_dim3A_68 : vector<128x1x256xf32> to vector<128x16x256xf32>
    %div3A_69 = arith.divf %exp3A, %div3A : vector<128x16x256xf32>
    %get3A_70 = arith.constant 0 : index
    %get3A_71 = arith.constant 0 : index
    %get3A_72 = vector.load %arg4[%get3A_70, %get3A_71] : memref<128x256xf32, #tpu.memory_space<vmem>>, vector<128x256xf32>
    %broadcast_in_dim3A_73 = vector.shape_cast %get3A_72 : vector<128x256xf32> to vector<128x1x256xf32>
    %reshape3A_74 = vector.shape_cast %add3A_26 : vector<2048x256xf32> to vector<128x16x256xf32>
    %add3A_75 = vector.broadcast %broadcast_in_dim3A_73 : vector<128x1x256xf32> to vector<128x16x256xf32>
    %add3A_76 = arith.addf %add3A_75, %reshape3A_74 : vector<128x16x256xf32>
    %mul3A = arith.mulf %div3A_69, %add3A_76 : vector<128x16x256xf32>
    %reduce_sum3A_77 = arith.constant dense<0.000000e+00> : vector<128x256xf32>
    %reduce_sum3A_78 = vector.multi_reduction <add>, %mul3A, %reduce_sum3A_77 [1] : vector<128x16x256xf32> to vector<128x256xf32>
    %get3A_79 = arith.constant 0 : index
    %get3A_80 = arith.constant 0 : index
    %get3A_81 = vector.load %arg14[%get3A_79, %get3A_80] : memref<256x256xf32, #tpu.memory_space<vmem>>, vector<256x256xf32>
    %dot_general3A_82 = arith.constant dense<0.000000e+00> : vector<128x256xf32>
    %dot_general3A_83 = tpu.matmul %reduce_sum3A_78, %get3A_81, %dot_general3A_82 {dimension_numbers = #tpu.dot_dimension_numbers<[1], [1], [0], [0], [0, 0, 1, 0], [], []>, precision = #tpu.contract_precision<fp32>, transpose_lhs_hint = false} : vector<128x256xf32>, vector<256x256xf32>, vector<128x256xf32> -> vector<128x256xf32>
    %get3A_84 = arith.constant 0 : index
    %get3A_85 = arith.constant 0 : index
    %get3A_86 = vector.load %arg15[%get3A_84, %get3A_85] : memref<1x256xf32, #tpu.memory_space<vmem>>, vector<1x256xf32>
    %add3A_87 = vector.broadcast %get3A_86 : vector<1x256xf32> to vector<128x256xf32>
    %add3A_88 = arith.addf %dot_general3A_83, %add3A_87 : vector<128x256xf32>
    %swap3A = arith.constant 0 : index
    %swap3A_89 = arith.constant 0 : index
    %swap3A_90 = vector.load %arg16[%swap3A, %swap3A_89] : memref<128x256xf32, #tpu.memory_space<vmem>>, vector<128x256xf32>
    tpu.vector_store %arg16[%swap3A, %swap3A_89], %add3A_88 {strides = array<i32>} : memref<128x256xf32, #tpu.memory_space<vmem>>, vector<128x256xf32>,
    return
  }
  func.func @transform_0(%arg0: i32) -> (i32, i32) {
    %c0_i32 = arith.constant 0 : i32
    %c0_i32_0 = arith.constant 0 : i32
    return %arg0, %c0_i32 : i32, i32
  }
  func.func @transform_1(%arg0: i32) -> (i32, i32) {
    %c0_i32 = arith.constant 0 : i32
    %c0_i32_0 = arith.constant 0 : i32
    return %arg0, %c0_i32 : i32, i32
  }
  func.func @transform_2(%arg0: i32) -> (i32, i32) {
    %c0_i32 = arith.constant 0 : i32
    %c0_i32_0 = arith.constant 0 : i32
    return %arg0, %c0_i32 : i32, i32
  }
  func.func @transform_3(%arg0: i32) -> (i32, i32) {
    %c0_i32 = arith.constant 0 : i32
    %c0_i32_0 = arith.constant 0 : i32
    return %arg0, %c0_i32 : i32, i32
  }
  func.func @transform_4(%arg0: i32) -> (i32, i32) {
    %c0_i32 = arith.constant 0 : i32
    %c0_i32_0 = arith.constant 0 : i32
    return %arg0, %c0_i32 : i32, i32
  }
  func.func @transform_5(%arg0: i32) -> (i32, i32) {
    %c0_i32 = arith.constant 0 : i32
    %c0_i32_0 = arith.constant 0 : i32
    %c0_i32_1 = arith.constant 0 : i32
    return %c0_i32, %c0_i32_0 : i32, i32
  }
  func.func @transform_6(%arg0: i32) -> (i32, i32) {
    %c0_i32 = arith.constant 0 : i32
    %c0_i32_0 = arith.constant 0 : i32
    %c0_i32_1 = arith.constant 0 : i32
    return %c0_i32, %c0_i32_0 : i32, i32
  }
  func.func @transform_7(%arg0: i32) -> (i32, i32) {
    %c0_i32 = arith.constant 0 : i32
    %c0_i32_0 = arith.constant 0 : i32
    %c0_i32_1 = arith.constant 0 : i32
    return %c0_i32, %c0_i32_0 : i32, i32
  }
  func.func @transform_8(%arg0: i32) -> (i32, i32) {
    %c0_i32 = arith.constant 0 : i32
    %c0_i32_0 = arith.constant 0 : i32
    %c0_i32_1 = arith.constant 0 : i32
    return %c0_i32, %c0_i32_0 : i32, i32
  }
  func.func @transform_9(%arg0: i32) -> (i32, i32) {
    %c0_i32 = arith.constant 0 : i32
    %c0_i32_0 = arith.constant 0 : i32
    %c0_i32_1 = arith.constant 0 : i32
    return %c0_i32, %c0_i32_0 : i32, i32
  }
  func.func @transform_10(%arg0: i32) -> (i32, i32) {
    %c0_i32 = arith.constant 0 : i32
    %c0_i32_0 = arith.constant 0 : i32
    %c0_i32_1 = arith.constant 0 : i32
    return %c0_i32, %c0_i32_0 : i32, i32
  }
  func.func @transform_11(%arg0: i32) -> (i32, i32) {
    %c0_i32 = arith.constant 0 : i32
    %c0_i32_0 = arith.constant 0 : i32
    %c0_i32_1 = arith.constant 0 : i32
    return %c0_i32, %c0_i32_0 : i32, i32
  }
  func.func @transform_12(%arg0: i32) -> (i32, i32) {
    %c0_i32 = arith.constant 0 : i32
    %c0_i32_0 = arith.constant 0 : i32
    %c0_i32_1 = arith.constant 0 : i32
    return %c0_i32, %c0_i32_0 : i32, i32
  }
  func.func @transform_13(%arg0: i32) -> (i32, i32) {
    %c0_i32 = arith.constant 0 : i32
    %c0_i32_0 = arith.constant 0 : i32
    %c0_i32_1 = arith.constant 0 : i32
    return %c0_i32, %c0_i32_0 : i32, i32
  }
  func.func @transform_14(%arg0: i32) -> (i32, i32) {
    %c0_i32 = arith.constant 0 : i32
    %c0_i32_0 = arith.constant 0 : i32
    %c0_i32_1 = arith.constant 0 : i32
    return %c0_i32, %c0_i32_0 : i32, i32
  }
  func.func @transform_15(%arg0: i32) -> (i32, i32) {
    %c0_i32 = arith.constant 0 : i32
    %c0_i32_0 = arith.constant 0 : i32
    return %arg0, %c0_i32 : i32, i32
  }
}

</mosaic_0001>

<sc_bundles>
// kernel: kernel.6.cloned.1.call-start
scs
__scs_entry_jumppad:
0x0: {  	(pc) =	sbr.rel $0x88, $3  }
0x1: {  	(tag) =	ssettag $0x0;
	lr =	simm.s32 $0x1  }
0x2: {  	[smem:$0x3F86] =	sst lr;
	_ =	strace $0xD0000000  }
0x3: {  	_ = 	snop  }
0x4: {  	_ = 	snop  }
0x5: {  	_ = 	snop  }
0x6: {  	_ = 	snop  }
0x7: {  	_ = 	snop  }
__scs_overlays_trampoline_lowered:
0x8: {  	[smem:$0x3F95] =	sst s0  }
0x9: {  	[smem:$0x3F96] =	sst s1  }
0xa: {  	[smem:$0x3F97] =	sst s2  }
0xb: {  	[smem:$0x3F98] =	sst s3  }
0xc: {  	[smem:$0x3F99] =	sst s4  }
0xd: {  	[smem:$0x3F9A] =	sst s5  }
0xe: {  	[smem:$0x3F9B] =	sst s6  }
0xf: {  	[smem:$0x3F9C] =	sst s7  }
0x10: {  	[smem:$0x3F9D] =	sst s8  }
0x11: {  	[smem:$0x3F9E] =	sst s9;
	s0 =	simm.s32 @!p0 $0x0  }
0x12: {  	s1 =	sld [smem:$0x3F84];
	s0 =	simm.s32 @p0 $0x1  }
0x13: {  	[smem:$0x3F9F] =	sst s0;
	s0 =	simm.s32 @!p1 $0x0  }
0x14: {  	s2 =	sld [smem:$0x3F83];
	s0 =	simm.s32 @p1 $0x1  }
0x15: {  	[smem:$0x3FA0] =	sst s0;
	s0 =	simm.s32 @!p2 $0x0  }
0x16: {  	s3 =	sld [smem:$0x3FDB];
	s0 =	simm.s32 @p2 $0x1  }
0x17: {  	s4 =	simm.s32 $0x1BF5;
	[smem:$0x3FA2] =	sst s0  }
0x18: {  	s0 =	sld [smem:$0x3F85];
	_ =	swait.ge [sflag:s4], $0x0  }
0x19: {  	s7 =	sld [smem:$0x3F86]  }
0x1a: {  	s8 =	sadd.s32 $0xFFFFE003, lr  }
0x1b: {  	s9 =	sadd.s32 $0xFFFFFEF7, lr;
	s5 =	simm.s32 $0xFFFFFFFF;
	p2 =	slt.u32 s8, $0xFFFFF086  }
0x1c: {  	p1 =	slt.u32 s9, $0xF7A;
	s5 =	simm.s32 @!p2 $0x0  }
0x1d: {  	s5 =	simm.s32 @p1 $0x1;
	p0 =	seq.s32 s7, s2  }
0x1e: {  	s7 =	smul.u32 @!p0 $0xF7A, s2;
	p2 =	seq.s32 @!p0 s5, $0x0  }
0x1f: {  	s9 =	smul.u32 $0xF7A, s1;
	s8 =	simm.s32 @!p0 $0x1BF5;
	p2 =	por !p2, p0  }
0x20: {  	[sflag:s8] =	ssyncset.s32 @!p0 $0xFFFFF086;
	s6 =	sadd.s32 @!p0 s3, s7;
	s7 =	simm.s32 @!p0 $0x108  }
0x21: {  	s3 =	sadd.s32 s3, s9;
	s6 =	sadd.s32 @!p0 $0x88, s6;
	s7 =	simm.s32 @p2 $0x1082  }
0x22: {  	[simem:s7], [sflag:s8] =	dma.local @!p0 [hbm:s6], $0xF7A  }
0x23: {  	s9 =	sor.u32 $0xD0000000, s2;
	s6 =	simm.s32 $0x108;
	_ =	swait.ge @!p0 [sflag:s8], $0x0  }
0x24: {  	s3 =	sadd.s32 $0x88, s3;
	s6 =	simm.s32 @!p1 $0x1082;
	[sflag:s4] =	ssyncset.s32 $0xFFFFF086  }
0x25: {  	[simem:s6], [sflag:s4] =	dma.local [hbm:s3], $0xF7A  }
0x26: {  	[smem:$0x3F86] =	sst s1;
	(tag) =	ssettag s2;
	_ =	strace s9  }
0x27: {  	s1 =	sld [smem:$0x3F96]  }
0x28: {  	s2 =	sld [smem:$0x3F97]  }
0x29: {  	s4 =	sld [smem:$0x3F99]  }
0x2a: {  	p0 =	seq.s32 s5, $0x0;
	s5 =	sld [smem:$0x3F9A]  }
0x2b: {  	s6 =	sld [smem:$0x3F9B]  }
0x2c: {  	s7 =	sld [smem:$0x3F9C]  }
0x2d: {  	s3 =	simm.s32 $0x108;
	s8 =	sld [smem:$0x3F9D]  }
0x2e: {  	s3 =	simm.s32 @!p0 $0x1082;
	s9 =	sld [smem:$0x3F9E]  }
0x2f: {  	lr =	sadd.s32 s0, s3;
	s0 =	sld [smem:$0x3F95]  }
0x30: {  	s3 =	sld [smem:$0x3F98]  }
0x31: {  	[smem:$0x3FA1] =	sst s10  }
0x32: {  	s10 =	sld [smem:$0x3F9F];
	_ =	sdelay $0x3  }
0x33: {  	p0 =	seq.s32 s10, $0x1;
	s10 =	sld [smem:$0x3FA1];
	_ =	sdelay $0x3  }
0x34: {  	[smem:$0x3FA1] =	sst s10  }
0x35: {  	s10 =	sld [smem:$0x3FA0];
	_ =	sdelay $0x3  }
0x36: {  	p1 =	seq.s32 s10, $0x1;
	s10 =	sld [smem:$0x3FA1];
	_ =	sdelay $0x3  }
0x37: {  	[smem:$0x3FA1] =	sst s10  }
0x38: {  	s10 =	sld [smem:$0x3FA2]  }
0x39: {  	_ = 	snop;
	(pc) =	sbr.ind lr, $3  }
0x3a: {  	_ = 	snop  }
0x3b: {  	_ = 	snop  }
0x3c: {  	p2 =	seq.s32 s10, $0x1;
	s10 =	sld [smem:$0x3FA1]  }
0x3d: {  	_ =	shalt  }
0x3e: {  	_ =	shalt  }
0x3f: {  	_ =	shalt  }
0x40: {  	_ =	shalt  }
0x41: {  	_ =	shalt  }
0x42: {  	_ =	shalt  }
0x43: {  	_ =	shalt  }
0x44: {  	_ =	shalt  }
0x45: {  	_ =	shalt  }
0x46: {  	_ =	shalt  }
0x47: {  	_ =	shalt  }
0x48: {  	_ =	shalt  }
0x49: {  	_ =	shalt  }
0x4a: {  	_ =	shalt  }
0x4b: {  	_ =	shalt  }
0x4c: {  	_ =	shalt  }
0x4d: {  	_ =	shalt  }
0x4e: {  	_ =	shalt  }
0x4f: {  	_ =	shalt  }
0x50: {  	_ =	shalt  }
0x51: {  	_ =	shalt  }
0x52: {  	_ =	shalt  }
0x53: {  	_ =	shalt  }
0x54: {  	_ =	shalt  }
0x55: {  	_ =	shalt  }
0x56: {  	_ =	shalt  }
0x57: {  	_ =	shalt  }
0x58: {  	_ =	shalt  }
0x59: {  	_ =	shalt  }
0x5a: {  	_ =	shalt  }
0x5b: {  	_ =	shalt  }
0x5c: {  	_ =	shalt  }
0x5d: {  	_ =	shalt  }
0x5e: {  	_ =	shalt  }
0x5f: {  	_ =	shalt  }
0x60: {  	_ =	shalt  }
0x61: {  	_ =	shalt  }
0x62: {  	_ =	shalt  }
0x63: {  	_ =	shalt  }
0x64: {  	_ =	shalt  }
0x65: {  	_ =	shalt  }
0x66: {  	_ =	shalt  }
0x67: {  	_ =	shalt  }
0x68: {  	_ =	shalt  }
0x69: {  	_ =	shalt  }
0x6a: {  	_ =	shalt  }
0x6b: {  	_ =	shalt  }
0x6c: {  	_ =	shalt  }
0x6d: {  	_ =	shalt  }
0x6e: {  	_ =	shalt  }
0x6f: {  	_ =	shalt  }
0x70: {  	_ =	shalt  }
0x71: {  	_ =	shalt  }
0x72: {  	_ =	shalt  }
0x73: {  	_ =	shalt  }
0x74: {  	_ =	shalt  }
0x75: {  	_ =	shalt  }
0x76: {  	_ =	shalt  }
0x77: {  	_ =	shalt  }
0x78: {  	_ =	shalt  }
0x79: {  	_ =	shalt  }
0x7a: {  	_ =	shalt  }
0x7b: {  	_ =	shalt  }
0x7c: {  	_ =	shalt  }
0x7d: {  	_ =	shalt  }
0x7e: {  	_ =	shalt  }
0x7f: {  	_ =	shalt  }
0x80: {  	_ =	shalt  }
0x81: {  	_ =	shalt  }
0x82: {  	_ =	shalt  }
0x83: {  	_ =	shalt  }
0x84: {  	_ =	shalt  }
0x85: {  	_ =	shalt  }
0x86: {  	_ =	shalt  }
0x87: {  	_ =	shalt  }
.Lfunc_end0:
.L_simem_size_0:
called_computation_lowered:
.L_overlay_start_0:
0x88: {  	s2 =	sld [smem:$0x3FD9]  }
0x89: {  	s3 =	sld [smem:$0x3FFE];
	_ =	sdelay $0x1  }
0x8a: {  	s1 =	srdreg.scid  }
0x8b: {  	s0 =	sand.u32 $0x1, s1  }
0x8c: {  	s17 =	sshll.u32 s0, $0xA;
	s2 =	sadd.s32 s3, s2  }
0x8d: {  	s2 =	sadd.s32 s2, s17  }
0x8e: {  	[smem:$0x3FAD] =	sst s2  }
0x8f: {  	_ = 	snop  }
0x90: {  	s2 =	sld [smem:$0x3FD0];
	(tm) =	ssettm $0x1  }
0x91: {  	s18 =	sld [smem:$0x3FFB];
	_ =	sdelay $0x3  }
0x92: {  	_ =	strace s18  }
0x93: {  	s3 =	sld [smem:$0x3FFC];
	_ =	sdelay $0x3  }
0x94: {  	_ =	strace s3  }
0x95: {  	s3 =	sld [smem:$0x3FFD];
	_ =	sdelay $0x3  }
0x96: {  	_ =	strace s3  }
0x97: {  	_ =	strace $0x8FFFFFFF  }
0x98: {  	s19 =	sld [smem:$0x3FDB];
	_ =	sdelay $0x1  }
0x99: {  	s4 =	simm.s32 $_scs_section_size  }
0x9a: {  	s5 =	simm.s32 $_size__tile_overlayer_lowered;
	s6 =	simm.s32 $_tile_overlayer_lowered  }
0x9b: {  	s22 =	simm.s32 $0x1BFF;
	s21 =	sshll.u32 s6, $0x1;
	s3 =	sadd.s32 s4, s19  }
0x9c: {  	s7 =	simm.s32 $0x0;
	s20 =	sshll.u32 s5, $0x1;
	s5 =	sadd.s32 s21, s3  }
0x9d: {  	[timem:s7], [sflag:s22] =	dma.local [hbm:s5], s20  }
0x9e: {  	_ =	swait.ge [sflag:s22], s20  }
0x9f: {  	s4 =	ssub.s32 $0x0, s20;
	[sflag:s22] =	ssyncset.done $0x0  }
0xa0: {  	[sflag:s22] =	ssyncadd.s32 s4;
	_ =	sdelay $0x1  }
0xa1: {  	s23 =	simm.s32 $0x1B8B  }
0xa2: {  	_ =	swait.ge [sflag:s23], $0x1  }
0xa3: {  	[sflag:s23] =	ssyncset.done $0x0  }
0xa4: {  	s25 =	simm.s32 $0x1B8E;
	s24 =	sld [smem:$0x3FFE];
	[sflag:s23] =	ssyncadd.s32 $0xFFFFFFFF  }
0xa5: {  	s26 =	simm.s32 $execute0_lowered;
	[smem:$0x3FD2] =	sst s25  }
0xa6: {  	s5 =	sshll.u32 s26, $0x1;
	_ =	strace $0x80000046;
	[dreg:$0x1] =	wrdreg $0xFFFFFFFF  }
0xa7: {  	s28 =	simm.s32 $_size_execute0_lowered;
	s3 =	sadd.s32 s3, s5;
	[dreg:$0x0] =	wrdreg $0x0  }
0xa8: {  	s5 =	sshll.u32 s28, $0x1;
	[dreg:$0x2] =	wrdreg s3  }
0xa9: {  	[dreg:$0x3] =	wrdreg s5  }
0xaa: {  	[dreg:$0x4] =	wrdreg $0xC0  }
0xab: {  	_ =	task [dreg:s7], $0x5FFFF  }
0xac: {  	[dreg:$0x1] =	wrdreg $0xFFFFFFFF  }
0xad: {  	[dreg:$0x0] =	wrdreg $0x60  }
0xae: {  	[dreg:$0x2] =	wrdreg s2  }
0xaf: {  	[dreg:$0x3] =	wrdreg s24  }
0xb0: {  	[dreg:$0x4] =	wrdreg $0x9  }
0xb1: {  	_ =	task.clear_ibuf [dreg:s7], $0x5FFFF;
	_ =	strace $0x90000046  }
0xb2: {  	s29 =	simm.s32 $0x9;
	_ =	strace $0x80000048  }
0xb3: {  	_ =	swait.ge [sflag:s29], $0x1  }
0xb4: {  	[sflag:s29] =	ssyncadd.s32 $0xFFFFFFFF  }
0xb5: {  	_ =	strace $0x90000048  }
0xb6: {  	_ =	sfence  }
0xb7: {  	s30 =	sld [smem:$0x0];
	_ =	sdelay $0x2  }
0xb8: {  	s31 =	sshll.u32 s1, $0xD;
	s1 =	sshrl.u32 s1, $0x2  }
0xb9: {  	s3 =	sand.u32 $0x4000, s31;
	s1 =	sadd.s32 s1, s30  }
0xba: {  	s0 =	sor.u32 s3, s0;
	s1 =	sshll.u32 s1, $0x11  }
0xbb: {  	s0 =	sor.u32 s1, s0  }
0xbc: {  	s0 =	sadd.s32 $0x8F2B, s0  }
0xbd: {  	[sflag:s0] =	ssyncadd.remote.s32 $0x1  }
0xbe: {  	_ =	sfence.sel $0xFFFF  }
0xbf: {  	[dreg:$0x0] =	wrdreg $0xFFFFFFFF;
	(pc) =	sbr.abs _section_cstart, $3  }
0xc0: {  	[dreg:$0x1] =	wrdreg $0xFFFFFFFF  }
0xc1: {  	_ =	task.clear_ibuf [dreg:s7], $0x2FFFF;
	_ =	strace $0x9FFFFFFF  }
0xc2: {  	(tm) =	ssettm $0x7FFFFFFF  }
0xc3: {  	_ =	shalt  }
tec
execute0_lowered:
.L_overlay_start_1:
0x0: {  	(tag) =	ssettag $0x1  }
0x1: {  	s2 =	rddreg [dreg:$0x0]  }
0x2: {  	s0 =	rddreg [dreg:$0x1];
	s3 =	srdreg.scid  }
0x3: {  	s1 =	stileid.u32;
	s10 =	simm.s32 $0x880;
	s11 =	simm.s32 $0x1080  }
0x4: {  	s12 =	simm.s32 $0x1880;
	s13 =	simm.s32 $0x2080;
	s14 =	simm.s32 $0x2880  }
0x5: {  	s15 =	simm.s32 $0x3080;
	s16 =	simm.s32 $0x3880;
	s17 =	simm.s32 $0x4080  }
0x6: {  	s18 =	simm.s32 $0x4880;
	s19 =	simm.s32 $0x5080;
	s20 =	simm.s32 $0x5880  }
0x7: {  	s21 =	simm.s32 $0x6080;
	s22 =	simm.s32 $0x6880;
	s28 =	simm.s32 $0x2  }
0x8: {  	s29 =	simm.s32 $0x0;
	s4 =	sand.u32 $0x1, s3;
	s3 =	simm.s32 $0x0  }
0x9: {  	s5 =	sshll.u32 s1, $0xC;
	s23 =	sadd.s32 $0x5A00, s0;
	s24 =	sshll.u32 s1, $0x11  }
0xa: {  	s25 =	sshll.u32 s1, $0x10;
	s6 =	sshll.u32 s4, $0xB;
	[smem:$0x7FF] =	sst s3  }
0xb: {  	s8 =	ssub.s32 $0x2, s4;
	s30 =	sshll.u32 s4, $0xF;
	s9 =	sshll.u32 s4, $0x10  }
0xc: {  	s5 =	sor.u32 s6, s5;
	_ =	strace $0x80000047;
	[dreg:$0x3] =	wrdreg s23  }
0xd: {  	s26 =	sshrl.u32 s8, $0x1;
	s23 =	simm.s32 $0x7080;
	s5 =	sshrl.u32 s5, $0x3  }
0xe: {  	s6 =	ssub.s32 s8, s26;
	s8 =	simm.s32 $0x3;
	s26 =	simm.s32 $0x1  }
0xf: {  	s7 =	sadd.s32 s5, s0;
	s5 =	sadd.s32 s24, s0;
	s0 =	sadd.s32 s25, s0  }
0x10: {  	v2 =	vlaneseq.u32;
	s4 =	smax.u32 s6, $0x1;
	s24 =	simm.s32 $0x7880;
	s25 =	simm.s32 $0x8080  }
0x11: {  	vm0 =	vmmov $0xffff;
	v1 =	vshrl.u32 v2, $0x3;
	s0 =	sadd.s32 s30, s0;
	s31 =	sadd.s32 s9, s5;
	s7 =	sadd.s32 $0x3A00, s7  }
0x12: {  	v0 =	vand.u32 $0x7, v2;
	v2 =	vor.u32 $0x8, v2;
	v1 =	vmul.u32 $0x8, v1;
	s9 =	simm.s32 $0x80;
	s5 =	sadd.s32 $0x215A00, s0;
	s6 =	sadd.s32 $0x15A00, s31  }
.LBB2_1:
0x13: {  	s30 =	smov.u32 s6;
	s31 =	smov.u32 s5;
	s0 =	simm.s32 $0x0  }
.LBB2_2:
0x14: {  	s1 =	sadd.s32 s0, s7  }
0x15: {  	[tilespmem:s3], [sflag:$0x3] =	stream.linear.gather [hbm4b:s1+s3], $0x80, $0x38;
	[tilespmem:$0xC080] =	vst v63  }
0x16: {  	_ =	swait.ge [sflag:s8], $0x80  }
0x17: {  	[sflag:s8] =	ssyncset.done $0x0  }
0x18: {  	[sflag:s8] =	ssyncadd.s32 $0xFFFFFF80  }
0x19: {  	v3 =	vld [tilespmem:$0x0];
	_ =	sdelay $0x4  }
0x1a: {  	v4 =	vshll.u32 v3, $0x1  }
0x1b: {  	v3 =	vand.u32 $0x7, v3;
	v4 =	vand.u32 $0xFFFFFFF0, v4  }
0x1c: {  	v3 =	vor.u32 v3, v4  }
0x1d: {  	v4 =	vperm.xlane v3, v0;
	_ =	sdelay $0x1  }
0x1e: {  	v3 =	vperm.xlane v3, v2;
	v4 =	vadd.s32 v1, v4;
	_ =	sdelay $0x1  }
0x1f: {  	v3 =	vadd.s32 v1, v3;
	_ =	sdelay $0x2  }
0x20: {  	[tilespmem:s9], [sflag:$0x1] =	stream.indirect_vreg.gather [hbm4b:s2+s3], $0x80, v4, vm0, $0xb8;
	[tilespmem:$0xC080] =	vst v63  }
0x21: {  	_ = 	snop  }
0x22: {  	[tilespmem:s10], [sflag:$0x1] =	stream.indirect_vreg.gather [hbm4b:s2+s3], $0x80, v3, vm0, $0xb8;
	[tilespmem:$0xC080] =	vst v63  }
0x23: {  	v3 =	vld [tilespmem:$0x10];
	_ =	sdelay $0x4  }
0x24: {  	v57 =	vshll.u32 v3, $0x1  }
0x25: {  	v3 =	vand.u32 $0x7, v3;
	v4 =	vand.u32 $0xFFFFFFF0, v57  }
0x26: {  	v3 =	vor.u32 v3, v4  }
0x27: {  	v4 =	vperm.xlane v3, v0;
	_ =	sdelay $0x1  }
0x28: {  	v3 =	vperm.xlane v3, v2;
	v4 =	vadd.s32 v1, v4;
	_ =	sdelay $0x1  }
0x29: {  	v3 =	vadd.s32 v1, v3;
	_ =	sdelay $0x2  }
0x2a: {  	[tilespmem:s11], [sflag:$0x1] =	stream.indirect_vreg.gather [hbm4b:s2+s3], $0x80, v4, vm0, $0xb8;
	[tilespmem:$0xC080] =	vst v63  }
0x2b: {  	_ = 	snop  }
0x2c: {  	[tilespmem:s12], [sflag:$0x1] =	stream.indirect_vreg.gather [hbm4b:s2+s3], $0x80, v3, vm0, $0xb8;
	[tilespmem:$0xC080] =	vst v63  }
0x2d: {  	v3 =	vld [tilespmem:$0x20];
	_ =	sdelay $0x4  }
0x2e: {  	v58 =	vshll.u32 v3, $0x1  }
0x2f: {  	v3 =	vand.u32 $0x7, v3;
	v4 =	vand.u32 $0xFFFFFFF0, v58  }
0x30: {  	v3 =	vor.u32 v3, v4  }
0x31: {  	v4 =	vperm.xlane v3, v0;
	_ =	sdelay $0x1  }
0x32: {  	v3 =	vperm.xlane v3, v2;
	v4 =	vadd.s32 v1, v4;
	_ =	sdelay $0x1  }
0x33: {  	v3 =	vadd.s32 v1, v3;
	_ =	sdelay $0x2  }
0x34: {  	[tilespmem:s13], [sflag:$0x1] =	stream.indirect_vreg.gather [hbm4b:s2+s3], $0x80, v4, vm0, $0xb8;
	[tilespmem:$0xC080] =	vst v63  }
0x35: {  	_ = 	snop  }
0x36: {  	[tilespmem:s14], [sflag:$0x1] =	stream.indirect_vreg.gather [hbm4b:s2+s3], $0x80, v3, vm0, $0xb8;
	[tilespmem:$0xC080] =	vst v63  }
0x37: {  	v3 =	vld [tilespmem:$0x30];
	_ =	sdelay $0x4  }
0x38: {  	v59 =	vshll.u32 v3, $0x1  }
0x39: {  	v3 =	vand.u32 $0x7, v3;
	v4 =	vand.u32 $0xFFFFFFF0, v59  }
0x3a: {  	v3 =	vor.u32 v3, v4  }
0x3b: {  	v4 =	vperm.xlane v3, v0;
	_ =	sdelay $0x1  }
0x3c: {  	v3 =	vperm.xlane v3, v2;
	v4 =	vadd.s32 v1, v4;
	_ =	sdelay $0x1  }
0x3d: {  	v3 =	vadd.s32 v1, v3;
	_ =	sdelay $0x2  }
0x3e: {  	[tilespmem:s15], [sflag:$0x1] =	stream.indirect_vreg.gather [hbm4b:s2+s3], $0x80, v4, vm0, $0xb8;
	[tilespmem:$0xC080] =	vst v63  }
0x3f: {  	_ = 	snop  }
0x40: {  	[tilespmem:s16], [sflag:$0x1] =	stream.indirect_vreg.gather [hbm4b:s2+s3], $0x80, v3, vm0, $0xb8;
	[tilespmem:$0xC080] =	vst v63  }
0x41: {  	v3 =	vld [tilespmem:$0x40];
	_ =	sdelay $0x4  }
0x42: {  	v60 =	vshll.u32 v3, $0x1  }
0x43: {  	v3 =	vand.u32 $0x7, v3;
	v4 =	vand.u32 $0xFFFFFFF0, v60  }
0x44: {  	v3 =	vor.u32 v3, v4  }
0x45: {  	v4 =	vperm.xlane v3, v0;
	_ =	sdelay $0x1  }
0x46: {  	v3 =	vperm.xlane v3, v2;
	v4 =	vadd.s32 v1, v4;
	_ =	sdelay $0x1  }
0x47: {  	v3 =	vadd.s32 v1, v3;
	_ =	sdelay $0x2  }
0x48: {  	[tilespmem:s17], [sflag:$0x1] =	stream.indirect_vreg.gather [hbm4b:s2+s3], $0x80, v4, vm0, $0xb8;
	[tilespmem:$0xC080] =	vst v63  }
0x49: {  	_ = 	snop  }
0x4a: {  	[tilespmem:s18], [sflag:$0x1] =	stream.indirect_vreg.gather [hbm4b:s2+s3], $0x80, v3, vm0, $0xb8;
	[tilespmem:$0xC080] =	vst v63  }
0x4b: {  	v3 =	vld [tilespmem:$0x50];
	_ =	sdelay $0x4  }
0x4c: {  	v61 =	vshll.u32 v3, $0x1  }
0x4d: {  	v3 =	vand.u32 $0x7, v3;
	v4 =	vand.u32 $0xFFFFFFF0, v61  }
0x4e: {  	v3 =	vor.u32 v3, v4  }
0x4f: {  	v4 =	vperm.xlane v3, v0;
	_ =	sdelay $0x1  }
0x50: {  	v3 =	vperm.xlane v3, v2;
	v4 =	vadd.s32 v1, v4;
	_ =	sdelay $0x1  }
0x51: {  	v3 =	vadd.s32 v1, v3;
	_ =	sdelay $0x2  }
0x52: {  	[tilespmem:s19], [sflag:$0x1] =	stream.indirect_vreg.gather [hbm4b:s2+s3], $0x80, v4, vm0, $0xb8;
	[tilespmem:$0xC080] =	vst v63  }
0x53: {  	_ = 	snop  }
0x54: {  	[tilespmem:s20], [sflag:$0x1] =	stream.indirect_vreg.gather [hbm4b:s2+s3], $0x80, v3, vm0, $0xb8;
	[tilespmem:$0xC080] =	vst v63  }
0x55: {  	v3 =	vld [tilespmem:$0x60];
	_ =	sdelay $0x4  }
0x56: {  	v62 =	vshll.u32 v3, $0x1  }
0x57: {  	v3 =	vand.u32 $0x7, v3;
	v4 =	vand.u32 $0xFFFFFFF0, v62  }
0x58: {  	v3 =	vor.u32 v3, v4  }
0x59: {  	v4 =	vperm.xlane v3, v0;
	_ =	sdelay $0x1  }
0x5a: {  	v3 =	vperm.xlane v3, v2;
	v4 =	vadd.s32 v1, v4;
	_ =	sdelay $0x1  }
0x5b: {  	v3 =	vadd.s32 v1, v3;
	_ =	sdelay $0x2  }
0x5c: {  	[tilespmem:s21], [sflag:$0x1] =	stream.indirect_vreg.gather [hbm4b:s2+s3], $0x80, v4, vm0, $0xb8;
	[tilespmem:$0xC080] =	vst v63  }
0x5d: {  	_ = 	snop  }
0x5e: {  	[tilespmem:s22], [sflag:$0x1] =	stream.indirect_vreg.gather [hbm4b:s2+s3], $0x80, v3, vm0, $0xb8;
	[tilespmem:$0xC080] =	vst v63  }
0x5f: {  	v3 =	vld [tilespmem:$0x70];
	_ =	sdelay $0x4  }
0x60: {  	v63 =	vshll.u32 v3, $0x1  }
0x61: {  	v3 =	vand.u32 $0x7, v3;
	v4 =	vand.u32 $0xFFFFFFF0, v63  }
0x62: {  	v3 =	vor.u32 v3, v4  }
0x63: {  	v4 =	vperm.xlane v3, v0;
	_ =	sdelay $0x1  }
0x64: {  	v3 =	vperm.xlane v3, v2;
	v4 =	vadd.s32 v1, v4;
	_ =	sdelay $0x1  }
0x65: {  	v3 =	vadd.s32 v1, v3;
	_ =	sdelay $0x2  }
0x66: {  	[tilespmem:s23], [sflag:$0x1] =	stream.indirect_vreg.gather [hbm4b:s2+s3], $0x80, v4, vm0, $0xb8;
	[tilespmem:$0xC080] =	vst v63  }
0x67: {  	_ = 	snop  }
0x68: {  	[tilespmem:s24], [sflag:$0x1] =	stream.indirect_vreg.gather [hbm4b:s2+s3], $0x80, v3, vm0, $0xb8;
	[tilespmem:$0xC080] =	vst v63  }
0x69: {  	s1 =	rddreg [dreg:$0x3]  }
0x6a: {  	[tilespmem:s25], [sflag:$0x2] =	stream.indirect.gather [hbm4b:s1+s9], $0x80, s3, s9, $0xb8;
	[tilespmem:$0xC080] =	vst v63  }
0x6b: {  	_ =	swait.ge [sflag:s26], $0x8000  }
0x6c: {  	[sflag:s26] =	ssyncset.done $0x0  }
0x6d: {  	[sflag:s26] =	ssyncadd.s32 $0xFFFF8000  }
0x6e: {  	_ =	swait.ge [sflag:s28], $0x4000  }
0x6f: {  	[sflag:s28] =	ssyncset.done $0x0  }
0x70: {  	[sflag:s28] =	ssyncadd.s32 $0xFFFFC000  }
0x71: {  	[hbm4b:s30+s3] =	stream.linear.scatter [tilespmem:s9], [sflag:$0x3], $0x8000, $0x38;
	[tilespmem:$0xC080] =	vst v63  }
0x72: {  	_ =	swait.ge [sflag:s8], $0x8000  }
0x73: {  	p0 =	sne.s32 s0, $0xF0;
	[sflag:s8] =	ssyncset.done $0x0  }
.Ltmp0:
0x74: {  	[sflag:s8] =	ssyncadd.s32 $0xFFFF8000;
	(pc) =	sbr.rel @p0 .LBB2_2-.Ltmp0, $4  }
0x75: {  	[hbm4b:s31+s3] =	stream.linear.scatter [tilespmem:s25], [sflag:$0x3], $0x4000, $0x38;
	[tilespmem:$0xC080] =	vst v63  }
0x76: {  	_ =	swait.ge [sflag:s8], $0x4000  }
0x77: {  	s0 =	sadd.s32 $0x10, s0;
	[sflag:s8] =	ssyncset.done $0x0  }
0x78: {  	s30 =	sadd.s32 $0x1000, s30;
	s31 =	sadd.s32 $0x800, s31;
	[sflag:s8] =	ssyncadd.s32 $0xFFFFC000  }
0x79: {  	s29 =	sadd.s32 $0x1, s29  }
0x7a: {  	p0 =	sne.s32 s29, s4  }
.Ltmp1:
0x7b: {  	_ = 	snop;
	(pc) =	sbr.rel @p0 .LBB2_1-.Ltmp1, $1  }
0x7c: {  	_ =	sdelay $0x3  }
0x7d: {  	_ =	sfence.sel $0x180000  }
0x7e: {  	[bflag:$0x0] =	sbarrier.arrive $0xFFFF  }
0x7f: {  	_ =	strace $0x90000047  }
0x80: {  	s0 =	stileid.u32;
	[bflag:$0x2] =	sbarrier.arrive $0xFFFF  }
0x81: {  	p0 =	sne.s32 s0, $0x0;
	s0 =	rddreg [dreg:$0x2]  }
0x82: {  	s0 =	sadd.s32 @!p0 $0x100000, s0  }
0x83: {  	[sflag:s0] =	ssyncadd.tile.s32 @!p0 $0x1;
	_ =	shalt  }
.Lfunc_end2:
_tile_overlayer_lowered:
.L_overlay_start_2:
0x84: {  	(tag) =	ssettag $0x2  }
0x85: {  	s0 =	rddreg [dreg:$0x0];
	s2 =	stileid.u32  }
0x86: {  	s1 =	rddreg [dreg:$0x1];
	p0 =	sne.s32 s2, $0x0  }
0x87: {  	s3 =	rddreg [dreg:$0x2];
	[bflag:$0x3] =	sbarrier.arrive $0xFFFF;
	s2 =	simm.s32 @!p0 $0x1C03  }
0x88: {  	[timem:s3], [sflag:s2] =	dma.local @!p0 [hbm:s0], s1  }
0x89: {  	s0 =	simm.s32 @!p0 $0x3  }
0x8a: {  	_ =	swait.ge @!p0 [sflag:s0], s1  }
0x8b: {  	s1 =	ssub.s32 @!p0 $0x0, s1;
	[sflag:s0] =	ssyncset.done @!p0 $0x0  }
0x8c: {  	[sflag:s0] =	ssyncadd.s32 @!p0 s1  }
0x8d: {  	[bflag:$0x3] =	sbarrier.arrive $0xFFFF  }
0x8e: {  	_ =	shalt  }

</sc_bundles>
